<compile_context>
chip_gen: v7x
topology: tpu7x:2x2x1
jax: 0.10.2.dev20260603
libtpu: 0.0.44.dev20260713+nightly
codegen_flags: <defaults>
</compile_context>

<pallas_src>
import functools

import jax
import jax.numpy as jnp
from jax import lax
from jax.experimental import pallas as pl
from jax.experimental.pallas import tpu as pltpu
from jax.experimental.pallas import tpu_sc as plsc

_B, _DIN, _D, _C = 16384, 128, 64, 8

_NC, _NS = 2, 16
_NW = _NC * _NS
_BPW = _B // _NW
_CHUNK = 128
_NCHUNK = _BPW // _CHUNK
_REP = 256


def _sc_mask_gather_body(table_hbm, idx_hbm, out_hbm, idx_v, rows_v, sem, sem_out):
    wid = lax.axis_index("s") * _NC + lax.axis_index("c")
    base = wid * _BPW
    pltpu.sync_copy(idx_hbm.at[pl.ds(wid * _NCHUNK, _NCHUNK)], idx_v)
    lanes = lax.iota(jnp.int32, 16)
    for j in range(_NCHUNK):
        for g in range(_CHUNK // 16):
            off = (j * _CHUNK + g * 16) % _REP
            idx_v[j, pl.ds(g * 16, 16)] = (
                idx_v[j, pl.ds(g * 16, 16)] + (_C * off + _C * lanes)
            )
    cps = [
        pltpu.async_copy(table_hbm.at[idx_v.at[j]], rows_v.at[j], sem)
        for j in range(_NCHUNK)
    ]
    outs = []
    for j in range(_NCHUNK):
        cps[j].wait()
        outs.append(
            pltpu.async_copy(
                rows_v.at[j], out_hbm.at[pl.ds(base + j * _CHUNK, _CHUNK)], sem_out
            )
        )
    for cp in outs:
        cp.wait()


@functools.cache
def _sc_mask_gather():
    return pl.kernel(
        _sc_mask_gather_body,
        mesh=plsc.VectorSubcoreMesh(core_axis_name="c", subcore_axis_name="s"),
        out_type=jax.ShapeDtypeStruct((_B, 128), jnp.float32),
        scratch_types=[
            pltpu.VMEM((_NCHUNK, _CHUNK), jnp.int32),
            pltpu.VMEM((_NCHUNK, _CHUNK, 128), jnp.float32),
            pltpu.SemaphoreType.DMA,
            pltpu.SemaphoreType.DMA,
        ],
    )


_BM = 2048


def _tc_body(x_ref, m_ref, w_ref, b_ref,
             emb_ref, masked_ref, masknorm_ref, embnorm_ref,
             acc_mask, acc_sq):
    i = pl.program_id(0)

    @pl.when(i == 0)
    def _init():
        acc_mask[0] = 0.0
        acc_sq[0] = 0.0

    y = lax.dot_general(
        x_ref[...], w_ref[...], (((1,), (1,)), ((), ())),
        preferred_element_type=jnp.float32,
    )
    y = y + b_ref[...]
    m = jnp.maximum(m_ref[:, : _D], 0.0)
    t = y * m
    s = jnp.sum(t * t, axis=1, keepdims=True)
    inv = jnp.where(s > 0.0, lax.rsqrt(s), 0.0)
    emb_ref[...] = y.T
    masked_ref[...] = (t * inv).T

    acc_mask[0] += jnp.sum(m)
    acc_sq[0] += jnp.sum(y * y)

    @pl.when(i == pl.num_programs(0) - 1)
    def _fin():
        masknorm_ref[0, 0] = acc_mask[0]
        embnorm_ref[0, 0] = jnp.sqrt(acc_sq[0])


def _tc_call(x, mask_rows, wt, b2, interpret=False):
    return pl.pallas_call(
        _tc_body,
        grid=(_B // _BM,),
        in_specs=[
            pl.BlockSpec((_BM, _DIN), lambda i: (i, 0)),
            pl.BlockSpec((_BM, 128), lambda i: (i, 0)),
            pl.BlockSpec((_D, _DIN), lambda i: (0, 0)),
            pl.BlockSpec((1, _D), lambda i: (0, 0)),
        ],
        out_specs=[
            pl.BlockSpec((_D, _BM), lambda i: (0, i)),
            pl.BlockSpec((_D, _BM), lambda i: (0, i)),
            pl.BlockSpec(memory_space=pltpu.SMEM),
            pl.BlockSpec(memory_space=pltpu.SMEM),
        ],
        out_shape=[
            jax.ShapeDtypeStruct((_D, _B), jnp.float32),
            jax.ShapeDtypeStruct((_D, _B), jnp.float32),
            jax.ShapeDtypeStruct((1, 1), jnp.float32),
            jax.ShapeDtypeStruct((1, 1), jnp.float32),
        ],
        scratch_shapes=[
            pltpu.SMEM((1,), jnp.float32),
            pltpu.SMEM((1,), jnp.float32),
        ],
        interpret=interpret,
    )(x, mask_rows, wt, b2)


def kernel(x, c, W, b, masks_weight):
    table_pad = jnp.pad(masks_weight, ((0, 0), (0, 128 - _D)))
    table_rep = jnp.tile(table_pad, (_REP, 1))
    c_rows = c.astype(jnp.int32).reshape(_B // _CHUNK, _CHUNK)
    mask_rows = _sc_mask_gather()(table_rep, c_rows)
    emb_t, masked_t, masknorm, embnorm = _tc_call(
        x, mask_rows, W.T, b.reshape(1, _D))
    return (masked_t.T, masknorm.reshape(()), embnorm.reshape(()), emb_t.T)

# --- scband reference (transcript-rebuilt; emitter-appended) ---
"""Pipeline reference for scband-type-specific-net-attention-73624329388615 (READ-ONLY COPY).

The authoritative reference and input builder live on the scoring server;
editing this copy changes nothing except your own understanding.
"""

import jax, jax.numpy as jnp
import numpy as np

B, DIN, D, C = 16384, 128, 64, 8

def setup_inputs(seed: int = 0) -> dict:
    key = jax.random.key(seed)
    k1, k2, k3 = jax.random.split(key, 3)
    x = jax.random.normal(k1, (B, DIN), dtype=jnp.float32)
    c = jax.random.randint(k2, (B,), 0, C)
    # embeddingnet parameters (Linear DIN -> D)
    W = jax.random.normal(k3, (DIN, D), dtype=jnp.float32) * 0.05
    b = jnp.zeros((D,), dtype=jnp.float32)
    # mask embedding table initialized exactly like the torch module
    mask_array = np.full((C, D), 0.1, dtype=np.float32)
    mask_len = D // C
    for i in range(C):
        mask_array[i, i * mask_len:(i + 1) * mask_len] = 1.0
    masks_weight = jnp.asarray(mask_array)
    return {"x": x, "c": c, "W": W, "b": b, "masks_weight": masks_weight}

def reference(x, c, W, b, masks_weight):
    # embeddingnet: linear projection
    embedded_x = x @ W + b
    # type-specific mask lookup (embedding gather) + relu
    mask = jax.nn.relu(jnp.take(masks_weight, c, axis=0))
    masked_embedding = embedded_x * mask
    mask_norm = jnp.sum(jnp.abs(mask))            # torch .norm(1) over full tensor
    embed_norm = jnp.sqrt(jnp.sum(embedded_x ** 2))  # torch .norm(2) over full tensor
    # l2_norm branch (args.l2_embed = True)
    norm = jnp.sqrt(jnp.sum(masked_embedding ** 2, axis=1)) + 1e-10
    masked_embedding = masked_embedding / norm[:, None]
    return (masked_embedding, mask_norm, embed_norm, embedded_x)

if __name__ == "__main__":
    import jax
    _d = setup_inputs()
    print(jax.jit(kernel)(*tuple(_d.values())))

</pallas_src>

<mosaic_0001>
#map = affine_map<(d0, d1) -> (0, 0)>
module attributes {stable_mosaic.version = 14 : i64} {
  func.func @_sc_mask_gather_body(%arg0: i32, %arg1: i32, %arg2: memref<2048x128xf32, #tpu.memory_space<hbm>>, %arg3: memref<128x128xi32, #tpu.memory_space<hbm>>, %arg4: memref<16384x128xf32, #tpu.memory_space<hbm>>, %arg5: memref<4x128xi32, #tpu.memory_space<vmem>>, %arg6: memref<4x128x128xf32, #tpu.memory_space<vmem>>, %arg7: memref<!tpu.dma_semaphore, #tpu.memory_space<semaphore_mem>>, %arg8: memref<!tpu.dma_semaphore, #tpu.memory_space<semaphore_mem>>) attributes {dimension_semantics = [#tpu.dimension_semantics<core_parallel>, #tpu.dimension_semantics<subcore_parallel>], iteration_bounds = array<i64: 2, 16>, scalar_prefetch = 0 : i64, scratch_operands = 4 : i64, tpu.core_type = #tpu.core_type<sc_vector_subcore>, window_params = [{transform_indices = #map}, {transform_indices = #map}, {transform_indices = #map}]} {
    %mul3A = arith.constant 2 : i32
    %mul3A_0 = arith.muli %arg1, %mul3A : i32
    %add3A = arith.addi %mul3A_0, %arg0 : i32
    %mul3A_1 = arith.constant 512 : i32
    %mul3A_2 = arith.muli %add3A, %mul3A_1 : i32
    %mul3A_3 = arith.constant 4 : i32
    %mul3A_4 = arith.muli %add3A, %mul3A_3 : i32
    "tpu.region"() ({
      %run_scoped3A = tpu.sem_alloc : memref<!tpu.dma_semaphore, #tpu.memory_space<semaphore_mem>>
      %dma_start3A_785 = arith.constant 0 : i32
      %dma_start3A_786 = tpu.memref_slice %arg3[%mul3A_4, %dma_start3A_785] : memref<128x128xi32, #tpu.memory_space<hbm>> -> memref<4x128xi32, #tpu.memory_space<hbm>>
      %dma_start3A_787 = arith.constant 0 : i32
      %dma_start3A_788 = tpu.memref_slice %arg3[%mul3A_4, %dma_start3A_787] : memref<128x128xi32, #tpu.memory_space<hbm>> -> memref<4x128xi32, #tpu.memory_space<hbm>>
      tpu.enqueue_dma source(%dma_start3A_788 : memref<4x128xi32, #tpu.memory_space<hbm>>) target(%arg5 : memref<4x128xi32, #tpu.memory_space<vmem>>) target_semaphore(%run_scoped3A : memref<!tpu.dma_semaphore, #tpu.memory_space<semaphore_mem>>)
      %dma_wait3A_789 = arith.constant 0 : i32
      %dma_wait3A_790 = tpu.memref_slice %arg3[%mul3A_4, %dma_wait3A_789] : memref<128x128xi32, #tpu.memory_space<hbm>> -> memref<4x128xi32, #tpu.memory_space<hbm>>
      %dma_wait3A_791 = arith.constant 0 : i32
      %dma_wait3A_792 = tpu.memref_slice %arg3[%mul3A_4, %dma_wait3A_791] : memref<128x128xi32, #tpu.memory_space<hbm>> -> memref<4x128xi32, #tpu.memory_space<hbm>>
      tpu.wait_dma2 semaphore(%run_scoped3A : memref<!tpu.dma_semaphore, #tpu.memory_space<semaphore_mem>>) src(%dma_wait3A_792 : memref<4x128xi32, #tpu.memory_space<hbm>>) dst(%arg5 : memref<4x128xi32, #tpu.memory_space<vmem>>)
      tpu.yield
    }) : () -> ()
    %iota3A = tpu.iota {dimensions = array<i32: 0>} : vector<16xi32>
    %get3A = arith.constant 0 : i32
    %get3A_5 = arith.index_cast %get3A : i32 to index
    %get3A_6 = arith.constant 0 : index
    %get3A_7 = tpu.vector_load %arg5[%get3A_5, %get3A_6] {strides = array<i32>} : memref<4x128xi32, #tpu.memory_space<vmem>>, vector<1x16xi32>,
    %get3A_8 = vector.shape_cast %get3A_7 : vector<1x16xi32> to vector<16xi32>
    %mul3A_9 = arith.constant 8 : i32
    %mul3A_10 = vector.broadcast %mul3A_9 : i32 to vector<16xi32>
    %mul3A_11 = arith.muli %mul3A_10, %iota3A : vector<16xi32>
    %add3A_12 = arith.constant 0 : i32
    %add3A_13 = vector.broadcast %add3A_12 : i32 to vector<16xi32>
    %add3A_14 = arith.addi %add3A_13, %mul3A_11 : vector<16xi32>
    %add3A_15 = arith.addi %get3A_8, %add3A_14 : vector<16xi32>
    %swap3A = arith.constant 0 : i32
    %swap3A_16 = arith.index_cast %swap3A : i32 to index
    %swap3A_17 = arith.constant 0 : index
    %swap3A_18 = tpu.vector_load %arg5[%swap3A_16, %swap3A_17] {strides = array<i32>} : memref<4x128xi32, #tpu.memory_space<vmem>>, vector<1x16xi32>,
    %swap3A_19 = vector.shape_cast %swap3A_18 : vector<1x16xi32> to vector<16xi32>
    %swap3A_20 = vector.shape_cast %add3A_15 : vector<16xi32> to vector<1x16xi32>
    tpu.vector_store %arg5[%swap3A_16, %swap3A_17], %swap3A_20 {strides = array<i32>} : memref<4x128xi32, #tpu.memory_space<vmem>>, vector<1x16xi32>,
    %get3A_21 = arith.constant 0 : i32
    %get3A_22 = arith.index_cast %get3A_21 : i32 to index
    %get3A_23 = arith.constant 16 : index
    %get3A_24 = tpu.vector_load %arg5[%get3A_22, %get3A_23] {strides = array<i32>} : memref<4x128xi32, #tpu.memory_space<vmem>>, vector<1x16xi32>,
    %get3A_25 = vector.shape_cast %get3A_24 : vector<1x16xi32> to vector<16xi32>
    %mul3A_26 = arith.constant 8 : i32
    %mul3A_27 = vector.broadcast %mul3A_26 : i32 to vector<16xi32>
    %mul3A_28 = arith.muli %mul3A_27, %iota3A : vector<16xi32>
    %add3A_29 = arith.constant 128 : i32
    %add3A_30 = vector.broadcast %add3A_29 : i32 to vector<16xi32>
    %add3A_31 = arith.addi %add3A_30, %mul3A_28 : vector<16xi32>
    %add3A_32 = arith.addi %get3A_25, %add3A_31 : vector<16xi32>
    %swap3A_33 = arith.constant 0 : i32
    %swap3A_34 = arith.index_cast %swap3A_33 : i32 to index
    %swap3A_35 = arith.constant 16 : index
    %swap3A_36 = tpu.vector_load %arg5[%swap3A_34, %swap3A_35] {strides = array<i32>} : memref<4x128xi32, #tpu.memory_space<vmem>>, vector<1x16xi32>,
    %swap3A_37 = vector.shape_cast %swap3A_36 : vector<1x16xi32> to vector<16xi32>
    %swap3A_38 = vector.shape_cast %add3A_32 : vector<16xi32> to vector<1x16xi32>
    tpu.vector_store %arg5[%swap3A_34, %swap3A_35], %swap3A_38 {strides = array<i32>} : memref<4x128xi32, #tpu.memory_space<vmem>>, vector<1x16xi32>,
    %get3A_39 = arith.constant 0 : i32
    %get3A_40 = arith.index_cast %get3A_39 : i32 to index
    %get3A_41 = arith.constant 32 : index
    %get3A_42 = tpu.vector_load %arg5[%get3A_40, %get3A_41] {strides = array<i32>} : memref<4x128xi32, #tpu.memory_space<vmem>>, vector<1x16xi32>,
    %get3A_43 = vector.shape_cast %get3A_42 : vector<1x16xi32> to vector<16xi32>
    %mul3A_44 = arith.constant 8 : i32
    %mul3A_45 = vector.broadcast %mul3A_44 : i32 to vector<16xi32>
    %mul3A_46 = arith.muli %mul3A_45, %iota3A : vector<16xi32>
    %add3A_47 = arith.constant 256 : i32
    %add3A_48 = vector.broadcast %add3A_47 : i32 to vector<16xi32>
    %add3A_49 = arith.addi %add3A_48, %mul3A_46 : vector<16xi32>
    %add3A_50 = arith.addi %get3A_43, %add3A_49 : vector<16xi32>
    %swap3A_51 = arith.constant 0 : i32
    %swap3A_52 = arith.index_cast %swap3A_51 : i32 to index
    %swap3A_53 = arith.constant 32 : index
    %swap3A_54 = tpu.vector_load %arg5[%swap3A_52, %swap3A_53] {strides = array<i32>} : memref<4x128xi32, #tpu.memory_space<vmem>>, vector<1x16xi32>,
    %swap3A_55 = vector.shape_cast %swap3A_54 : vector<1x16xi32> to vector<16xi32>
    %swap3A_56 = vector.shape_cast %add3A_50 : vector<16xi32> to vector<1x16xi32>
    tpu.vector_store %arg5[%swap3A_52, %swap3A_53], %swap3A_56 {strides = array<i32>} : memref<4x128xi32, #tpu.memory_space<vmem>>, vector<1x16xi32>,
    %get3A_57 = arith.constant 0 : i32
    %get3A_58 = arith.index_cast %get3A_57 : i32 to index
    %get3A_59 = arith.constant 48 : index
    %get3A_60 = tpu.vector_load %arg5[%get3A_58, %get3A_59] {strides = array<i32>} : memref<4x128xi32, #tpu.memory_space<vmem>>, vector<1x16xi32>,
    %get3A_61 = vector.shape_cast %get3A_60 : vector<1x16xi32> to vector<16xi32>
    %mul3A_62 = arith.constant 8 : i32
    %mul3A_63 = vector.broadcast %mul3A_62 : i32 to vector<16xi32>
    %mul3A_64 = arith.muli %mul3A_63, %iota3A : vector<16xi32>
    %add3A_65 = arith.constant 384 : i32
    %add3A_66 = vector.broadcast %add3A_65 : i32 to vector<16xi32>
    %add3A_67 = arith.addi %add3A_66, %mul3A_64 : vector<16xi32>
    %add3A_68 = arith.addi %get3A_61, %add3A_67 : vector<16xi32>
    %swap3A_69 = arith.constant 0 : i32
    %swap3A_70 = arith.index_cast %swap3A_69 : i32 to index
    %swap3A_71 = arith.constant 48 : index
    %swap3A_72 = tpu.vector_load %arg5[%swap3A_70, %swap3A_71] {strides = array<i32>} : memref<4x128xi32, #tpu.memory_space<vmem>>, vector<1x16xi32>,
    %swap3A_73 = vector.shape_cast %swap3A_72 : vector<1x16xi32> to vector<16xi32>
    %swap3A_74 = vector.shape_cast %add3A_68 : vector<16xi32> to vector<1x16xi32>
    tpu.vector_store %arg5[%swap3A_70, %swap3A_71], %swap3A_74 {strides = array<i32>} : memref<4x128xi32, #tpu.memory_space<vmem>>, vector<1x16xi32>,
    %get3A_75 = arith.constant 0 : i32
    %get3A_76 = arith.index_cast %get3A_75 : i32 to index
    %get3A_77 = arith.constant 64 : index
    %get3A_78 = tpu.vector_load %arg5[%get3A_76, %get3A_77] {strides = array<i32>} : memref<4x128xi32, #tpu.memory_space<vmem>>, vector<1x16xi32>,
    %get3A_79 = vector.shape_cast %get3A_78 : vector<1x16xi32> to vector<16xi32>
    %mul3A_80 = arith.constant 8 : i32
    %mul3A_81 = vector.broadcast %mul3A_80 : i32 to vector<16xi32>
    %mul3A_82 = arith.muli %mul3A_81, %iota3A : vector<16xi32>
    %add3A_83 = arith.constant 512 : i32
    %add3A_84 = vector.broadcast %add3A_83 : i32 to vector<16xi32>
    %add3A_85 = arith.addi %add3A_84, %mul3A_82 : vector<16xi32>
    %add3A_86 = arith.addi %get3A_79, %add3A_85 : vector<16xi32>
    %swap3A_87 = arith.constant 0 : i32
    %swap3A_88 = arith.index_cast %swap3A_87 : i32 to index
    %swap3A_89 = arith.constant 64 : index
    %swap3A_90 = tpu.vector_load %arg5[%swap3A_88, %swap3A_89] {strides = array<i32>} : memref<4x128xi32, #tpu.memory_space<vmem>>, vector<1x16xi32>,
    %swap3A_91 = vector.shape_cast %swap3A_90 : vector<1x16xi32> to vector<16xi32>
    %swap3A_92 = vector.shape_cast %add3A_86 : vector<16xi32> to vector<1x16xi32>
    tpu.vector_store %arg5[%swap3A_88, %swap3A_89], %swap3A_92 {strides = array<i32>} : memref<4x128xi32, #tpu.memory_space<vmem>>, vector<1x16xi32>,
    %get3A_93 = arith.constant 0 : i32
    %get3A_94 = arith.index_cast %get3A_93 : i32 to index
    %get3A_95 = arith.constant 80 : index
    %get3A_96 = tpu.vector_load %arg5[%get3A_94, %get3A_95] {strides = array<i32>} : memref<4x128xi32, #tpu.memory_space<vmem>>, vector<1x16xi32>,
    %get3A_97 = vector.shape_cast %get3A_96 : vector<1x16xi32> to vector<16xi32>
    %mul3A_98 = arith.constant 8 : i32
    %mul3A_99 = vector.broadcast %mul3A_98 : i32 to vector<16xi32>
    %mul3A_100 = arith.muli %mul3A_99, %iota3A : vector<16xi32>
    %add3A_101 = arith.constant 640 : i32
    %add3A_102 = vector.broadcast %add3A_101 : i32 to vector<16xi32>
    %add3A_103 = arith.addi %add3A_102, %mul3A_100 : vector<16xi32>
    %add3A_104 = arith.addi %get3A_97, %add3A_103 : vector<16xi32>
    %swap3A_105 = arith.constant 0 : i32
    %swap3A_106 = arith.index_cast %swap3A_105 : i32 to index
    %swap3A_107 = arith.constant 80 : index
    %swap3A_108 = tpu.vector_load %arg5[%swap3A_106, %swap3A_107] {strides = array<i32>} : memref<4x128xi32, #tpu.memory_space<vmem>>, vector<1x16xi32>,
    %swap3A_109 = vector.shape_cast %swap3A_108 : vector<1x16xi32> to vector<16xi32>
    %swap3A_110 = vector.shape_cast %add3A_104 : vector<16xi32> to vector<1x16xi32>
    tpu.vector_store %arg5[%swap3A_106, %swap3A_107], %swap3A_110 {strides = array<i32>} : memref<4x128xi32, #tpu.memory_space<vmem>>, vector<1x16xi32>,
    %get3A_111 = arith.constant 0 : i32
    %get3A_112 = arith.index_cast %get3A_111 : i32 to index
    %get3A_113 = arith.constant 96 : index
    %get3A_114 = tpu.vector_load %arg5[%get3A_112, %get3A_113] {strides = array<i32>} : memref<4x128xi32, #tpu.memory_space<vmem>>, vector<1x16xi32>,
    %get3A_115 = vector.shape_cast %get3A_114 : vector<1x16xi32> to vector<16xi32>
    %mul3A_116 = arith.constant 8 : i32
    %mul3A_117 = vector.broadcast %mul3A_116 : i32 to vector<16xi32>
    %mul3A_118 = arith.muli %mul3A_117, %iota3A : vector<16xi32>
    %add3A_119 = arith.constant 768 : i32
    %add3A_120 = vector.broadcast %add3A_119 : i32 to vector<16xi32>
    %add3A_121 = arith.addi %add3A_120, %mul3A_118 : vector<16xi32>
    %add3A_122 = arith.addi %get3A_115, %add3A_121 : vector<16xi32>
    %swap3A_123 = arith.constant 0 : i32
    %swap3A_124 = arith.index_cast %swap3A_123 : i32 to index
    %swap3A_125 = arith.constant 96 : index
    %swap3A_126 = tpu.vector_load %arg5[%swap3A_124, %swap3A_125] {strides = array<i32>} : memref<4x128xi32, #tpu.memory_space<vmem>>, vector<1x16xi32>,
    %swap3A_127 = vector.shape_cast %swap3A_126 : vector<1x16xi32> to vector<16xi32>
    %swap3A_128 = vector.shape_cast %add3A_122 : vector<16xi32> to vector<1x16xi32>
    tpu.vector_store %arg5[%swap3A_124, %swap3A_125], %swap3A_128 {strides = array<i32>} : memref<4x128xi32, #tpu.memory_space<vmem>>, vector<1x16xi32>,
    %get3A_129 = arith.constant 0 : i32
    %get3A_130 = arith.index_cast %get3A_129 : i32 to index
    %get3A_131 = arith.constant 112 : index
    %get3A_132 = tpu.vector_load %arg5[%get3A_130, %get3A_131] {strides = array<i32>} : memref<4x128xi32, #tpu.memory_space<vmem>>, vector<1x16xi32>,
    %get3A_133 = vector.shape_cast %get3A_132 : vector<1x16xi32> to vector<16xi32>
    %mul3A_134 = arith.constant 8 : i32
    %mul3A_135 = vector.broadcast %mul3A_134 : i32 to vector<16xi32>
    %mul3A_136 = arith.muli %mul3A_135, %iota3A : vector<16xi32>
    %add3A_137 = arith.constant 896 : i32
    %add3A_138 = vector.broadcast %add3A_137 : i32 to vector<16xi32>
    %add3A_139 = arith.addi %add3A_138, %mul3A_136 : vector<16xi32>
    %add3A_140 = arith.addi %get3A_133, %add3A_139 : vector<16xi32>
    %swap3A_141 = arith.constant 0 : i32
    %swap3A_142 = arith.index_cast %swap3A_141 : i32 to index
    %swap3A_143 = arith.constant 112 : index
    %swap3A_144 = tpu.vector_load %arg5[%swap3A_142, %swap3A_143] {strides = array<i32>} : memref<4x128xi32, #tpu.memory_space<vmem>>, vector<1x16xi32>,
    %swap3A_145 = vector.shape_cast %swap3A_144 : vector<1x16xi32> to vector<16xi32>
    %swap3A_146 = vector.shape_cast %add3A_140 : vector<16xi32> to vector<1x16xi32>
    tpu.vector_store %arg5[%swap3A_142, %swap3A_143], %swap3A_146 {strides = array<i32>} : memref<4x128xi32, #tpu.memory_space<vmem>>, vector<1x16xi32>,
    %get3A_147 = arith.constant 1 : i32
    %get3A_148 = arith.index_cast %get3A_147 : i32 to index
    %get3A_149 = arith.constant 0 : index
    %get3A_150 = tpu.vector_load %arg5[%get3A_148, %get3A_149] {strides = array<i32>} : memref<4x128xi32, #tpu.memory_space<vmem>>, vector<1x16xi32>,
    %get3A_151 = vector.shape_cast %get3A_150 : vector<1x16xi32> to vector<16xi32>
    %mul3A_152 = arith.constant 8 : i32
    %mul3A_153 = vector.broadcast %mul3A_152 : i32 to vector<16xi32>
    %mul3A_154 = arith.muli %mul3A_153, %iota3A : vector<16xi32>
    %add3A_155 = arith.constant 1024 : i32
    %add3A_156 = vector.broadcast %add3A_155 : i32 to vector<16xi32>
    %add3A_157 = arith.addi %add3A_156, %mul3A_154 : vector<16xi32>
    %add3A_158 = arith.addi %get3A_151, %add3A_157 : vector<16xi32>
    %swap3A_159 = arith.constant 1 : i32
    %swap3A_160 = arith.index_cast %swap3A_159 : i32 to index
    %swap3A_161 = arith.constant 0 : index
    %swap3A_162 = tpu.vector_load %arg5[%swap3A_160, %swap3A_161] {strides = array<i32>} : memref<4x128xi32, #tpu.memory_space<vmem>>, vector<1x16xi32>,
    %swap3A_163 = vector.shape_cast %swap3A_162 : vector<1x16xi32> to vector<16xi32>
    %swap3A_164 = vector.shape_cast %add3A_158 : vector<16xi32> to vector<1x16xi32>
    tpu.vector_store %arg5[%swap3A_160, %swap3A_161], %swap3A_164 {strides = array<i32>} : memref<4x128xi32, #tpu.memory_space<vmem>>, vector<1x16xi32>,
    %get3A_165 = arith.constant 1 : i32
    %get3A_166 = arith.index_cast %get3A_165 : i32 to index
    %get3A_167 = arith.constant 16 : index
    %get3A_168 = tpu.vector_load %arg5[%get3A_166, %get3A_167] {strides = array<i32>} : memref<4x128xi32, #tpu.memory_space<vmem>>, vector<1x16xi32>,
    %get3A_169 = vector.shape_cast %get3A_168 : vector<1x16xi32> to vector<16xi32>
    %mul3A_170 = arith.constant 8 : i32
    %mul3A_171 = vector.broadcast %mul3A_170 : i32 to vector<16xi32>
    %mul3A_172 = arith.muli %mul3A_171, %iota3A : vector<16xi32>
    %add3A_173 = arith.constant 1152 : i32
    %add3A_174 = vector.broadcast %add3A_173 : i32 to vector<16xi32>
    %add3A_175 = arith.addi %add3A_174, %mul3A_172 : vector<16xi32>
    %add3A_176 = arith.addi %get3A_169, %add3A_175 : vector<16xi32>
    %swap3A_177 = arith.constant 1 : i32
    %swap3A_178 = arith.index_cast %swap3A_177 : i32 to index
    %swap3A_179 = arith.constant 16 : index
    %swap3A_180 = tpu.vector_load %arg5[%swap3A_178, %swap3A_179] {strides = array<i32>} : memref<4x128xi32, #tpu.memory_space<vmem>>, vector<1x16xi32>,
    %swap3A_181 = vector.shape_cast %swap3A_180 : vector<1x16xi32> to vector<16xi32>
    %swap3A_182 = vector.shape_cast %add3A_176 : vector<16xi32> to vector<1x16xi32>
    tpu.vector_store %arg5[%swap3A_178, %swap3A_179], %swap3A_182 {strides = array<i32>} : memref<4x128xi32, #tpu.memory_space<vmem>>, vector<1x16xi32>,
    %get3A_183 = arith.constant 1 : i32
    %get3A_184 = arith.index_cast %get3A_183 : i32 to index
    %get3A_185 = arith.constant 32 : index
    %get3A_186 = tpu.vector_load %arg5[%get3A_184, %get3A_185] {strides = array<i32>} : memref<4x128xi32, #tpu.memory_space<vmem>>, vector<1x16xi32>,
    %get3A_187 = vector.shape_cast %get3A_186 : vector<1x16xi32> to vector<16xi32>
    %mul3A_188 = arith.constant 8 : i32
    %mul3A_189 = vector.broadcast %mul3A_188 : i32 to vector<16xi32>
    %mul3A_190 = arith.muli %mul3A_189, %iota3A : vector<16xi32>
    %add3A_191 = arith.constant 1280 : i32
    %add3A_192 = vector.broadcast %add3A_191 : i32 to vector<16xi32>
    %add3A_193 = arith.addi %add3A_192, %mul3A_190 : vector<16xi32>
    %add3A_194 = arith.addi %get3A_187, %add3A_193 : vector<16xi32>
    %swap3A_195 = arith.constant 1 : i32
    %swap3A_196 = arith.index_cast %swap3A_195 : i32 to index
    %swap3A_197 = arith.constant 32 : index
    %swap3A_198 = tpu.vector_load %arg5[%swap3A_196, %swap3A_197] {strides = array<i32>} : memref<4x128xi32, #tpu.memory_space<vmem>>, vector<1x16xi32>,
    %swap3A_199 = vector.shape_cast %swap3A_198 : vector<1x16xi32> to vector<16xi32>
    %swap3A_200 = vector.shape_cast %add3A_194 : vector<16xi32> to vector<1x16xi32>
    tpu.vector_store %arg5[%swap3A_196, %swap3A_197], %swap3A_200 {strides = array<i32>} : memref<4x128xi32, #tpu.memory_space<vmem>>, vector<1x16xi32>,
    %get3A_201 = arith.constant 1 : i32
    %get3A_202 = arith.index_cast %get3A_201 : i32 to index
    %get3A_203 = arith.constant 48 : index
    %get3A_204 = tpu.vector_load %arg5[%get3A_202, %get3A_203] {strides = array<i32>} : memref<4x128xi32, #tpu.memory_space<vmem>>, vector<1x16xi32>,
    %get3A_205 = vector.shape_cast %get3A_204 : vector<1x16xi32> to vector<16xi32>
    %mul3A_206 = arith.constant 8 : i32
    %mul3A_207 = vector.broadcast %mul3A_206 : i32 to vector<16xi32>
    %mul3A_208 = arith.muli %mul3A_207, %iota3A : vector<16xi32>
    %add3A_209 = arith.constant 1408 : i32
    %add3A_210 = vector.broadcast %add3A_209 : i32 to vector<16xi32>
    %add3A_211 = arith.addi %add3A_210, %mul3A_208 : vector<16xi32>
    %add3A_212 = arith.addi %get3A_205, %add3A_211 : vector<16xi32>
    %swap3A_213 = arith.constant 1 : i32
    %swap3A_214 = arith.index_cast %swap3A_213 : i32 to index
    %swap3A_215 = arith.constant 48 : index
    %swap3A_216 = tpu.vector_load %arg5[%swap3A_214, %swap3A_215] {strides = array<i32>} : memref<4x128xi32, #tpu.memory_space<vmem>>, vector<1x16xi32>,
    %swap3A_217 = vector.shape_cast %swap3A_216 : vector<1x16xi32> to vector<16xi32>
    %swap3A_218 = vector.shape_cast %add3A_212 : vector<16xi32> to vector<1x16xi32>
    tpu.vector_store %arg5[%swap3A_214, %swap3A_215], %swap3A_218 {strides = array<i32>} : memref<4x128xi32, #tpu.memory_space<vmem>>, vector<1x16xi32>,
    %get3A_219 = arith.constant 1 : i32
    %get3A_220 = arith.index_cast %get3A_219 : i32 to index
    %get3A_221 = arith.constant 64 : index
    %get3A_222 = tpu.vector_load %arg5[%get3A_220, %get3A_221] {strides = array<i32>} : memref<4x128xi32, #tpu.memory_space<vmem>>, vector<1x16xi32>,
    %get3A_223 = vector.shape_cast %get3A_222 : vector<1x16xi32> to vector<16xi32>
    %mul3A_224 = arith.constant 8 : i32
    %mul3A_225 = vector.broadcast %mul3A_224 : i32 to vector<16xi32>
    %mul3A_226 = arith.muli %mul3A_225, %iota3A : vector<16xi32>
    %add3A_227 = arith.constant 1536 : i32
    %add3A_228 = vector.broadcast %add3A_227 : i32 to vector<16xi32>
    %add3A_229 = arith.addi %add3A_228, %mul3A_226 : vector<16xi32>
    %add3A_230 = arith.addi %get3A_223, %add3A_229 : vector<16xi32>
    %swap3A_231 = arith.constant 1 : i32
    %swap3A_232 = arith.index_cast %swap3A_231 : i32 to index
    %swap3A_233 = arith.constant 64 : index
    %swap3A_234 = tpu.vector_load %arg5[%swap3A_232, %swap3A_233] {strides = array<i32>} : memref<4x128xi32, #tpu.memory_space<vmem>>, vector<1x16xi32>,
    %swap3A_235 = vector.shape_cast %swap3A_234 : vector<1x16xi32> to vector<16xi32>
    %swap3A_236 = vector.shape_cast %add3A_230 : vector<16xi32> to vector<1x16xi32>
    tpu.vector_store %arg5[%swap3A_232, %swap3A_233], %swap3A_236 {strides = array<i32>} : memref<4x128xi32, #tpu.memory_space<vmem>>, vector<1x16xi32>,
    %get3A_237 = arith.constant 1 : i32
    %get3A_238 = arith.index_cast %get3A_237 : i32 to index
    %get3A_239 = arith.constant 80 : index
    %get3A_240 = tpu.vector_load %arg5[%get3A_238, %get3A_239] {strides = array<i32>} : memref<4x128xi32, #tpu.memory_space<vmem>>, vector<1x16xi32>,
    %get3A_241 = vector.shape_cast %get3A_240 : vector<1x16xi32> to vector<16xi32>
    %mul3A_242 = arith.constant 8 : i32
    %mul3A_243 = vector.broadcast %mul3A_242 : i32 to vector<16xi32>
    %mul3A_244 = arith.muli %mul3A_243, %iota3A : vector<16xi32>
    %add3A_245 = arith.constant 1664 : i32
    %add3A_246 = vector.broadcast %add3A_245 : i32 to vector<16xi32>
    %add3A_247 = arith.addi %add3A_246, %mul3A_244 : vector<16xi32>
    %add3A_248 = arith.addi %get3A_241, %add3A_247 : vector<16xi32>
    %swap3A_249 = arith.constant 1 : i32
    %swap3A_250 = arith.index_cast %swap3A_249 : i32 to index
    %swap3A_251 = arith.constant 80 : index
    %swap3A_252 = tpu.vector_load %arg5[%swap3A_250, %swap3A_251] {strides = array<i32>} : memref<4x128xi32, #tpu.memory_space<vmem>>, vector<1x16xi32>,
    %swap3A_253 = vector.shape_cast %swap3A_252 : vector<1x16xi32> to vector<16xi32>
    %swap3A_254 = vector.shape_cast %add3A_248 : vector<16xi32> to vector<1x16xi32>
    tpu.vector_store %arg5[%swap3A_250, %swap3A_251], %swap3A_254 {strides = array<i32>} : memref<4x128xi32, #tpu.memory_space<vmem>>, vector<1x16xi32>,
    %get3A_255 = arith.constant 1 : i32
    %get3A_256 = arith.index_cast %get3A_255 : i32 to index
    %get3A_257 = arith.constant 96 : index
    %get3A_258 = tpu.vector_load %arg5[%get3A_256, %get3A_257] {strides = array<i32>} : memref<4x128xi32, #tpu.memory_space<vmem>>, vector<1x16xi32>,
    %get3A_259 = vector.shape_cast %get3A_258 : vector<1x16xi32> to vector<16xi32>
    %mul3A_260 = arith.constant 8 : i32
    %mul3A_261 = vector.broadcast %mul3A_260 : i32 to vector<16xi32>
    %mul3A_262 = arith.muli %mul3A_261, %iota3A : vector<16xi32>
    %add3A_263 = arith.constant 1792 : i32
    %add3A_264 = vector.broadcast %add3A_263 : i32 to vector<16xi32>
    %add3A_265 = arith.addi %add3A_264, %mul3A_262 : vector<16xi32>
    %add3A_266 = arith.addi %get3A_259, %add3A_265 : vector<16xi32>
    %swap3A_267 = arith.constant 1 : i32
    %swap3A_268 = arith.index_cast %swap3A_267 : i32 to index
    %swap3A_269 = arith.constant 96 : index
    %swap3A_270 = tpu.vector_load %arg5[%swap3A_268, %swap3A_269] {strides = array<i32>} : memref<4x128xi32, #tpu.memory_space<vmem>>, vector<1x16xi32>,
    %swap3A_271 = vector.shape_cast %swap3A_270 : vector<1x16xi32> to vector<16xi32>
    %swap3A_272 = vector.shape_cast %add3A_266 : vector<16xi32> to vector<1x16xi32>
    tpu.vector_store %arg5[%swap3A_268, %swap3A_269], %swap3A_272 {strides = array<i32>} : memref<4x128xi32, #tpu.memory_space<vmem>>, vector<1x16xi32>,
    %get3A_273 = arith.constant 1 : i32
    %get3A_274 = arith.index_cast %get3A_273 : i32 to index
    %get3A_275 = arith.constant 112 : index
    %get3A_276 = tpu.vector_load %arg5[%get3A_274, %get3A_275] {strides = array<i32>} : memref<4x128xi32, #tpu.memory_space<vmem>>, vector<1x16xi32>,
    %get3A_277 = vector.shape_cast %get3A_276 : vector<1x16xi32> to vector<16xi32>
    %mul3A_278 = arith.constant 8 : i32
    %mul3A_279 = vector.broadcast %mul3A_278 : i32 to vector<16xi32>
    %mul3A_280 = arith.muli %mul3A_279, %iota3A : vector<16xi32>
    %add3A_281 = arith.constant 1920 : i32
    %add3A_282 = vector.broadcast %add3A_281 : i32 to vector<16xi32>
    %add3A_283 = arith.addi %add3A_282, %mul3A_280 : vector<16xi32>
    %add3A_284 = arith.addi %get3A_277, %add3A_283 : vector<16xi32>
    %swap3A_285 = arith.constant 1 : i32
    %swap3A_286 = arith.index_cast %swap3A_285 : i32 to index
    %swap3A_287 = arith.constant 112 : index
    %swap3A_288 = tpu.vector_load %arg5[%swap3A_286, %swap3A_287] {strides = array<i32>} : memref<4x128xi32, #tpu.memory_space<vmem>>, vector<1x16xi32>,
    %swap3A_289 = vector.shape_cast %swap3A_288 : vector<1x16xi32> to vector<16xi32>
    %swap3A_290 = vector.shape_cast %add3A_284 : vector<16xi32> to vector<1x16xi32>
    tpu.vector_store %arg5[%swap3A_286, %swap3A_287], %swap3A_290 {strides = array<i32>} : memref<4x128xi32, #tpu.memory_space<vmem>>, vector<1x16xi32>,
    %get3A_291 = arith.constant 2 : i32
    %get3A_292 = arith.index_cast %get3A_291 : i32 to index
    %get3A_293 = arith.constant 0 : index
    %get3A_294 = tpu.vector_load %arg5[%get3A_292, %get3A_293] {strides = array<i32>} : memref<4x128xi32, #tpu.memory_space<vmem>>, vector<1x16xi32>,
    %get3A_295 = vector.shape_cast %get3A_294 : vector<1x16xi32> to vector<16xi32>
    %mul3A_296 = arith.constant 8 : i32
    %mul3A_297 = vector.broadcast %mul3A_296 : i32 to vector<16xi32>
    %mul3A_298 = arith.muli %mul3A_297, %iota3A : vector<16xi32>
    %add3A_299 = arith.constant 0 : i32
    %add3A_300 = vector.broadcast %add3A_299 : i32 to vector<16xi32>
    %add3A_301 = arith.addi %add3A_300, %mul3A_298 : vector<16xi32>
    %add3A_302 = arith.addi %get3A_295, %add3A_301 : vector<16xi32>
    %swap3A_303 = arith.constant 2 : i32
    %swap3A_304 = arith.index_cast %swap3A_303 : i32 to index
    %swap3A_305 = arith.constant 0 : index
    %swap3A_306 = tpu.vector_load %arg5[%swap3A_304, %swap3A_305] {strides = array<i32>} : memref<4x128xi32, #tpu.memory_space<vmem>>, vector<1x16xi32>,
    %swap3A_307 = vector.shape_cast %swap3A_306 : vector<1x16xi32> to vector<16xi32>
    %swap3A_308 = vector.shape_cast %add3A_302 : vector<16xi32> to vector<1x16xi32>
    tpu.vector_store %arg5[%swap3A_304, %swap3A_305], %swap3A_308 {strides = array<i32>} : memref<4x128xi32, #tpu.memory_space<vmem>>, vector<1x16xi32>,
    %get3A_309 = arith.constant 2 : i32
    %get3A_310 = arith.index_cast %get3A_309 : i32 to index
    %get3A_311 = arith.constant 16 : index
    %get3A_312 = tpu.vector_load %arg5[%get3A_310, %get3A_311] {strides = array<i32>} : memref<4x128xi32, #tpu.memory_space<vmem>>, vector<1x16xi32>,
    %get3A_313 = vector.shape_cast %get3A_312 : vector<1x16xi32> to vector<16xi32>
    %mul3A_314 = arith.constant 8 : i32
    %mul3A_315 = vector.broadcast %mul3A_314 : i32 to vector<16xi32>
    %mul3A_316 = arith.muli %mul3A_315, %iota3A : vector<16xi32>
    %add3A_317 = arith.constant 128 : i32
    %add3A_318 = vector.broadcast %add3A_317 : i32 to vector<16xi32>
    %add3A_319 = arith.addi %add3A_318, %mul3A_316 : vector<16xi32>
    %add3A_320 = arith.addi %get3A_313, %add3A_319 : vector<16xi32>
    %swap3A_321 = arith.constant 2 : i32
    %swap3A_322 = arith.index_cast %swap3A_321 : i32 to index
    %swap3A_323 = arith.constant 16 : index
    %swap3A_324 = tpu.vector_load %arg5[%swap3A_322, %swap3A_323] {strides = array<i32>} : memref<4x128xi32, #tpu.memory_space<vmem>>, vector<1x16xi32>,
    %swap3A_325 = vector.shape_cast %swap3A_324 : vector<1x16xi32> to vector<16xi32>
    %swap3A_326 = vector.shape_cast %add3A_320 : vector<16xi32> to vector<1x16xi32>
    tpu.vector_store %arg5[%swap3A_322, %swap3A_323], %swap3A_326 {strides = array<i32>} : memref<4x128xi32, #tpu.memory_space<vmem>>, vector<1x16xi32>,
    %get3A_327 = arith.constant 2 : i32
    %get3A_328 = arith.index_cast %get3A_327 : i32 to index
    %get3A_329 = arith.constant 32 : index
    %get3A_330 = tpu.vector_load %arg5[%get3A_328, %get3A_329] {strides = array<i32>} : memref<4x128xi32, #tpu.memory_space<vmem>>, vector<1x16xi32>,
    %get3A_331 = vector.shape_cast %get3A_330 : vector<1x16xi32> to vector<16xi32>
    %mul3A_332 = arith.constant 8 : i32
    %mul3A_333 = vector.broadcast %mul3A_332 : i32 to vector<16xi32>
    %mul3A_334 = arith.muli %mul3A_333, %iota3A : vector<16xi32>
    %add3A_335 = arith.constant 256 : i32
    %add3A_336 = vector.broadcast %add3A_335 : i32 to vector<16xi32>
    %add3A_337 = arith.addi %add3A_336, %mul3A_334 : vector<16xi32>
    %add3A_338 = arith.addi %get3A_331, %add3A_337 : vector<16xi32>
    %swap3A_339 = arith.constant 2 : i32
    %swap3A_340 = arith.index_cast %swap3A_339 : i32 to index
    %swap3A_341 = arith.constant 32 : index
    %swap3A_342 = tpu.vector_load %arg5[%swap3A_340, %swap3A_341] {strides = array<i32>} : memref<4x128xi32, #tpu.memory_space<vmem>>, vector<1x16xi32>,
    %swap3A_343 = vector.shape_cast %swap3A_342 : vector<1x16xi32> to vector<16xi32>
    %swap3A_344 = vector.shape_cast %add3A_338 : vector<16xi32> to vector<1x16xi32>
    tpu.vector_store %arg5[%swap3A_340, %swap3A_341], %swap3A_344 {strides = array<i32>} : memref<4x128xi32, #tpu.memory_space<vmem>>, vector<1x16xi32>,
    %get3A_345 = arith.constant 2 : i32
    %get3A_346 = arith.index_cast %get3A_345 : i32 to index
    %get3A_347 = arith.constant 48 : index
    %get3A_348 = tpu.vector_load %arg5[%get3A_346, %get3A_347] {strides = array<i32>} : memref<4x128xi32, #tpu.memory_space<vmem>>, vector<1x16xi32>,
    %get3A_349 = vector.shape_cast %get3A_348 : vector<1x16xi32> to vector<16xi32>
    %mul3A_350 = arith.constant 8 : i32
    %mul3A_351 = vector.broadcast %mul3A_350 : i32 to vector<16xi32>
    %mul3A_352 = arith.muli %mul3A_351, %iota3A : vector<16xi32>
    %add3A_353 = arith.constant 384 : i32
    %add3A_354 = vector.broadcast %add3A_353 : i32 to vector<16xi32>
    %add3A_355 = arith.addi %add3A_354, %mul3A_352 : vector<16xi32>
    %add3A_356 = arith.addi %get3A_349, %add3A_355 : vector<16xi32>
    %swap3A_357 = arith.constant 2 : i32
    %swap3A_358 = arith.index_cast %swap3A_357 : i32 to index
    %swap3A_359 = arith.constant 48 : index
    %swap3A_360 = tpu.vector_load %arg5[%swap3A_358, %swap3A_359] {strides = array<i32>} : memref<4x128xi32, #tpu.memory_space<vmem>>, vector<1x16xi32>,
    %swap3A_361 = vector.shape_cast %swap3A_360 : vector<1x16xi32> to vector<16xi32>
    %swap3A_362 = vector.shape_cast %add3A_356 : vector<16xi32> to vector<1x16xi32>
    tpu.vector_store %arg5[%swap3A_358, %swap3A_359], %swap3A_362 {strides = array<i32>} : memref<4x128xi32, #tpu.memory_space<vmem>>, vector<1x16xi32>,
    %get3A_363 = arith.constant 2 : i32
    %get3A_364 = arith.index_cast %get3A_363 : i32 to index
    %get3A_365 = arith.constant 64 : index
    %get3A_366 = tpu.vector_load %arg5[%get3A_364, %get3A_365] {strides = array<i32>} : memref<4x128xi32, #tpu.memory_space<vmem>>, vector<1x16xi32>,
    %get3A_367 = vector.shape_cast %get3A_366 : vector<1x16xi32> to vector<16xi32>
    %mul3A_368 = arith.constant 8 : i32
    %mul3A_369 = vector.broadcast %mul3A_368 : i32 to vector<16xi32>
    %mul3A_370 = arith.muli %mul3A_369, %iota3A : vector<16xi32>
    %add3A_371 = arith.constant 512 : i32
    %add3A_372 = vector.broadcast %add3A_371 : i32 to vector<16xi32>
    %add3A_373 = arith.addi %add3A_372, %mul3A_370 : vector<16xi32>
    %add3A_374 = arith.addi %get3A_367, %add3A_373 : vector<16xi32>
    %swap3A_375 = arith.constant 2 : i32
    %swap3A_376 = arith.index_cast %swap3A_375 : i32 to index
    %swap3A_377 = arith.constant 64 : index
    %swap3A_378 = tpu.vector_load %arg5[%swap3A_376, %swap3A_377] {strides = array<i32>} : memref<4x128xi32, #tpu.memory_space<vmem>>, vector<1x16xi32>,
    %swap3A_379 = vector.shape_cast %swap3A_378 : vector<1x16xi32> to vector<16xi32>
    %swap3A_380 = vector.shape_cast %add3A_374 : vector<16xi32> to vector<1x16xi32>
    tpu.vector_store %arg5[%swap3A_376, %swap3A_377], %swap3A_380 {strides = array<i32>} : memref<4x128xi32, #tpu.memory_space<vmem>>, vector<1x16xi32>,
    %get3A_381 = arith.constant 2 : i32
    %get3A_382 = arith.index_cast %get3A_381 : i32 to index
    %get3A_383 = arith.constant 80 : index
    %get3A_384 = tpu.vector_load %arg5[%get3A_382, %get3A_383] {strides = array<i32>} : memref<4x128xi32, #tpu.memory_space<vmem>>, vector<1x16xi32>,
    %get3A_385 = vector.shape_cast %get3A_384 : vector<1x16xi32> to vector<16xi32>
    %mul3A_386 = arith.constant 8 : i32
    %mul3A_387 = vector.broadcast %mul3A_386 : i32 to vector<16xi32>
    %mul3A_388 = arith.muli %mul3A_387, %iota3A : vector<16xi32>
    %add3A_389 = arith.constant 640 : i32
    %add3A_390 = vector.broadcast %add3A_389 : i32 to vector<16xi32>
    %add3A_391 = arith.addi %add3A_390, %mul3A_388 : vector<16xi32>
    %add3A_392 = arith.addi %get3A_385, %add3A_391 : vector<16xi32>
    %swap3A_393 = arith.constant 2 : i32
    %swap3A_394 = arith.index_cast %swap3A_393 : i32 to index
    %swap3A_395 = arith.constant 80 : index
    %swap3A_396 = tpu.vector_load %arg5[%swap3A_394, %swap3A_395] {strides = array<i32>} : memref<4x128xi32, #tpu.memory_space<vmem>>, vector<1x16xi32>,
    %swap3A_397 = vector.shape_cast %swap3A_396 : vector<1x16xi32> to vector<16xi32>
    %swap3A_398 = vector.shape_cast %add3A_392 : vector<16xi32> to vector<1x16xi32>
    tpu.vector_store %arg5[%swap3A_394, %swap3A_395], %swap3A_398 {strides = array<i32>} : memref<4x128xi32, #tpu.memory_space<vmem>>, vector<1x16xi32>,
    %get3A_399 = arith.constant 2 : i32
    %get3A_400 = arith.index_cast %get3A_399 : i32 to index
    %get3A_401 = arith.constant 96 : index
    %get3A_402 = tpu.vector_load %arg5[%get3A_400, %get3A_401] {strides = array<i32>} : memref<4x128xi32, #tpu.memory_space<vmem>>, vector<1x16xi32>,
    %get3A_403 = vector.shape_cast %get3A_402 : vector<1x16xi32> to vector<16xi32>
    %mul3A_404 = arith.constant 8 : i32
    %mul3A_405 = vector.broadcast %mul3A_404 : i32 to vector<16xi32>
    %mul3A_406 = arith.muli %mul3A_405, %iota3A : vector<16xi32>
    %add3A_407 = arith.constant 768 : i32
    %add3A_408 = vector.broadcast %add3A_407 : i32 to vector<16xi32>
    %add3A_409 = arith.addi %add3A_408, %mul3A_406 : vector<16xi32>
    %add3A_410 = arith.addi %get3A_403, %add3A_409 : vector<16xi32>
    %swap3A_411 = arith.constant 2 : i32
    %swap3A_412 = arith.index_cast %swap3A_411 : i32 to index
    %swap3A_413 = arith.constant 96 : index
    %swap3A_414 = tpu.vector_load %arg5[%swap3A_412, %swap3A_413] {strides = array<i32>} : memref<4x128xi32, #tpu.memory_space<vmem>>, vector<1x16xi32>,
    %swap3A_415 = vector.shape_cast %swap3A_414 : vector<1x16xi32> to vector<16xi32>
    %swap3A_416 = vector.shape_cast %add3A_410 : vector<16xi32> to vector<1x16xi32>
    tpu.vector_store %arg5[%swap3A_412, %swap3A_413], %swap3A_416 {strides = array<i32>} : memref<4x128xi32, #tpu.memory_space<vmem>>, vector<1x16xi32>,
    %get3A_417 = arith.constant 2 : i32
    %get3A_418 = arith.index_cast %get3A_417 : i32 to index
    %get3A_419 = arith.constant 112 : index
    %get3A_420 = tpu.vector_load %arg5[%get3A_418, %get3A_419] {strides = array<i32>} : memref<4x128xi32, #tpu.memory_space<vmem>>, vector<1x16xi32>,
    %get3A_421 = vector.shape_cast %get3A_420 : vector<1x16xi32> to vector<16xi32>
    %mul3A_422 = arith.constant 8 : i32
    %mul3A_423 = vector.broadcast %mul3A_422 : i32 to vector<16xi32>
    %mul3A_424 = arith.muli %mul3A_423, %iota3A : vector<16xi32>
    %add3A_425 = arith.constant 896 : i32
    %add3A_426 = vector.broadcast %add3A_425 : i32 to vector<16xi32>
    %add3A_427 = arith.addi %add3A_426, %mul3A_424 : vector<16xi32>
    %add3A_428 = arith.addi %get3A_421, %add3A_427 : vector<16xi32>
    %swap3A_429 = arith.constant 2 : i32
    %swap3A_430 = arith.index_cast %swap3A_429 : i32 to index
    %swap3A_431 = arith.constant 112 : index
    %swap3A_432 = tpu.vector_load %arg5[%swap3A_430, %swap3A_431] {strides = array<i32>} : memref<4x128xi32, #tpu.memory_space<vmem>>, vector<1x16xi32>,
    %swap3A_433 = vector.shape_cast %swap3A_432 : vector<1x16xi32> to vector<16xi32>
    %swap3A_434 = vector.shape_cast %add3A_428 : vector<16xi32> to vector<1x16xi32>
    tpu.vector_store %arg5[%swap3A_430, %swap3A_431], %swap3A_434 {strides = array<i32>} : memref<4x128xi32, #tpu.memory_space<vmem>>, vector<1x16xi32>,
    %get3A_435 = arith.constant 3 : i32
    %get3A_436 = arith.index_cast %get3A_435 : i32 to index
    %get3A_437 = arith.constant 0 : index
    %get3A_438 = tpu.vector_load %arg5[%get3A_436, %get3A_437] {strides = array<i32>} : memref<4x128xi32, #tpu.memory_space<vmem>>, vector<1x16xi32>,
    %get3A_439 = vector.shape_cast %get3A_438 : vector<1x16xi32> to vector<16xi32>
    %mul3A_440 = arith.constant 8 : i32
    %mul3A_441 = vector.broadcast %mul3A_440 : i32 to vector<16xi32>
    %mul3A_442 = arith.muli %mul3A_441, %iota3A : vector<16xi32>
    %add3A_443 = arith.constant 1024 : i32
    %add3A_444 = vector.broadcast %add3A_443 : i32 to vector<16xi32>
    %add3A_445 = arith.addi %add3A_444, %mul3A_442 : vector<16xi32>
    %add3A_446 = arith.addi %get3A_439, %add3A_445 : vector<16xi32>
    %swap3A_447 = arith.constant 3 : i32
    %swap3A_448 = arith.index_cast %swap3A_447 : i32 to index
    %swap3A_449 = arith.constant 0 : index
    %swap3A_450 = tpu.vector_load %arg5[%swap3A_448, %swap3A_449] {strides = array<i32>} : memref<4x128xi32, #tpu.memory_space<vmem>>, vector<1x16xi32>,
    %swap3A_451 = vector.shape_cast %swap3A_450 : vector<1x16xi32> to vector<16xi32>
    %swap3A_452 = vector.shape_cast %add3A_446 : vector<16xi32> to vector<1x16xi32>
    tpu.vector_store %arg5[%swap3A_448, %swap3A_449], %swap3A_452 {strides = array<i32>} : memref<4x128xi32, #tpu.memory_space<vmem>>, vector<1x16xi32>,
    %get3A_453 = arith.constant 3 : i32
    %get3A_454 = arith.index_cast %get3A_453 : i32 to index
    %get3A_455 = arith.constant 16 : index
    %get3A_456 = tpu.vector_load %arg5[%get3A_454, %get3A_455] {strides = array<i32>} : memref<4x128xi32, #tpu.memory_space<vmem>>, vector<1x16xi32>,
    %get3A_457 = vector.shape_cast %get3A_456 : vector<1x16xi32> to vector<16xi32>
    %mul3A_458 = arith.constant 8 : i32
    %mul3A_459 = vector.broadcast %mul3A_458 : i32 to vector<16xi32>
    %mul3A_460 = arith.muli %mul3A_459, %iota3A : vector<16xi32>
    %add3A_461 = arith.constant 1152 : i32
    %add3A_462 = vector.broadcast %add3A_461 : i32 to vector<16xi32>
    %add3A_463 = arith.addi %add3A_462, %mul3A_460 : vector<16xi32>
    %add3A_464 = arith.addi %get3A_457, %add3A_463 : vector<16xi32>
    %swap3A_465 = arith.constant 3 : i32
    %swap3A_466 = arith.index_cast %swap3A_465 : i32 to index
    %swap3A_467 = arith.constant 16 : index
    %swap3A_468 = tpu.vector_load %arg5[%swap3A_466, %swap3A_467] {strides = array<i32>} : memref<4x128xi32, #tpu.memory_space<vmem>>, vector<1x16xi32>,
    %swap3A_469 = vector.shape_cast %swap3A_468 : vector<1x16xi32> to vector<16xi32>
    %swap3A_470 = vector.shape_cast %add3A_464 : vector<16xi32> to vector<1x16xi32>
    tpu.vector_store %arg5[%swap3A_466, %swap3A_467], %swap3A_470 {strides = array<i32>} : memref<4x128xi32, #tpu.memory_space<vmem>>, vector<1x16xi32>,
    %get3A_471 = arith.constant 3 : i32
    %get3A_472 = arith.index_cast %get3A_471 : i32 to index
    %get3A_473 = arith.constant 32 : index
    %get3A_474 = tpu.vector_load %arg5[%get3A_472, %get3A_473] {strides = array<i32>} : memref<4x128xi32, #tpu.memory_space<vmem>>, vector<1x16xi32>,
    %get3A_475 = vector.shape_cast %get3A_474 : vector<1x16xi32> to vector<16xi32>
    %mul3A_476 = arith.constant 8 : i32
    %mul3A_477 = vector.broadcast %mul3A_476 : i32 to vector<16xi32>
    %mul3A_478 = arith.muli %mul3A_477, %iota3A : vector<16xi32>
    %add3A_479 = arith.constant 1280 : i32
    %add3A_480 = vector.broadcast %add3A_479 : i32 to vector<16xi32>
    %add3A_481 = arith.addi %add3A_480, %mul3A_478 : vector<16xi32>
    %add3A_482 = arith.addi %get3A_475, %add3A_481 : vector<16xi32>
    %swap3A_483 = arith.constant 3 : i32
    %swap3A_484 = arith.index_cast %swap3A_483 : i32 to index
    %swap3A_485 = arith.constant 32 : index
    %swap3A_486 = tpu.vector_load %arg5[%swap3A_484, %swap3A_485] {strides = array<i32>} : memref<4x128xi32, #tpu.memory_space<vmem>>, vector<1x16xi32>,
    %swap3A_487 = vector.shape_cast %swap3A_486 : vector<1x16xi32> to vector<16xi32>
    %swap3A_488 = vector.shape_cast %add3A_482 : vector<16xi32> to vector<1x16xi32>
    tpu.vector_store %arg5[%swap3A_484, %swap3A_485], %swap3A_488 {strides = array<i32>} : memref<4x128xi32, #tpu.memory_space<vmem>>, vector<1x16xi32>,
    %get3A_489 = arith.constant 3 : i32
    %get3A_490 = arith.index_cast %get3A_489 : i32 to index
    %get3A_491 = arith.constant 48 : index
    %get3A_492 = tpu.vector_load %arg5[%get3A_490, %get3A_491] {strides = array<i32>} : memref<4x128xi32, #tpu.memory_space<vmem>>, vector<1x16xi32>,
    %get3A_493 = vector.shape_cast %get3A_492 : vector<1x16xi32> to vector<16xi32>
    %mul3A_494 = arith.constant 8 : i32
    %mul3A_495 = vector.broadcast %mul3A_494 : i32 to vector<16xi32>
    %mul3A_496 = arith.muli %mul3A_495, %iota3A : vector<16xi32>
    %add3A_497 = arith.constant 1408 : i32
    %add3A_498 = vector.broadcast %add3A_497 : i32 to vector<16xi32>
    %add3A_499 = arith.addi %add3A_498, %mul3A_496 : vector<16xi32>
    %add3A_500 = arith.addi %get3A_493, %add3A_499 : vector<16xi32>
    %swap3A_501 = arith.constant 3 : i32
    %swap3A_502 = arith.index_cast %swap3A_501 : i32 to index
    %swap3A_503 = arith.constant 48 : index
    %swap3A_504 = tpu.vector_load %arg5[%swap3A_502, %swap3A_503] {strides = array<i32>} : memref<4x128xi32, #tpu.memory_space<vmem>>, vector<1x16xi32>,
    %swap3A_505 = vector.shape_cast %swap3A_504 : vector<1x16xi32> to vector<16xi32>
    %swap3A_506 = vector.shape_cast %add3A_500 : vector<16xi32> to vector<1x16xi32>
    tpu.vector_store %arg5[%swap3A_502, %swap3A_503], %swap3A_506 {strides = array<i32>} : memref<4x128xi32, #tpu.memory_space<vmem>>, vector<1x16xi32>,
    %get3A_507 = arith.constant 3 : i32
    %get3A_508 = arith.index_cast %get3A_507 : i32 to index
    %get3A_509 = arith.constant 64 : index
    %get3A_510 = tpu.vector_load %arg5[%get3A_508, %get3A_509] {strides = array<i32>} : memref<4x128xi32, #tpu.memory_space<vmem>>, vector<1x16xi32>,
    %get3A_511 = vector.shape_cast %get3A_510 : vector<1x16xi32> to vector<16xi32>
    %mul3A_512 = arith.constant 8 : i32
    %mul3A_513 = vector.broadcast %mul3A_512 : i32 to vector<16xi32>
    %mul3A_514 = arith.muli %mul3A_513, %iota3A : vector<16xi32>
    %add3A_515 = arith.constant 1536 : i32
    %add3A_516 = vector.broadcast %add3A_515 : i32 to vector<16xi32>
    %add3A_517 = arith.addi %add3A_516, %mul3A_514 : vector<16xi32>
    %add3A_518 = arith.addi %get3A_511, %add3A_517 : vector<16xi32>
    %swap3A_519 = arith.constant 3 : i32
    %swap3A_520 = arith.index_cast %swap3A_519 : i32 to index
    %swap3A_521 = arith.constant 64 : index
    %swap3A_522 = tpu.vector_load %arg5[%swap3A_520, %swap3A_521] {strides = array<i32>} : memref<4x128xi32, #tpu.memory_space<vmem>>, vector<1x16xi32>,
    %swap3A_523 = vector.shape_cast %swap3A_522 : vector<1x16xi32> to vector<16xi32>
    %swap3A_524 = vector.shape_cast %add3A_518 : vector<16xi32> to vector<1x16xi32>
    tpu.vector_store %arg5[%swap3A_520, %swap3A_521], %swap3A_524 {strides = array<i32>} : memref<4x128xi32, #tpu.memory_space<vmem>>, vector<1x16xi32>,
    %get3A_525 = arith.constant 3 : i32
    %get3A_526 = arith.index_cast %get3A_525 : i32 to index
    %get3A_527 = arith.constant 80 : index
    %get3A_528 = tpu.vector_load %arg5[%get3A_526, %get3A_527] {strides = array<i32>} : memref<4x128xi32, #tpu.memory_space<vmem>>, vector<1x16xi32>,
    %get3A_529 = vector.shape_cast %get3A_528 : vector<1x16xi32> to vector<16xi32>
    %mul3A_530 = arith.constant 8 : i32
    %mul3A_531 = vector.broadcast %mul3A_530 : i32 to vector<16xi32>
    %mul3A_532 = arith.muli %mul3A_531, %iota3A : vector<16xi32>
    %add3A_533 = arith.constant 1664 : i32
    %add3A_534 = vector.broadcast %add3A_533 : i32 to vector<16xi32>
    %add3A_535 = arith.addi %add3A_534, %mul3A_532 : vector<16xi32>
    %add3A_536 = arith.addi %get3A_529, %add3A_535 : vector<16xi32>
    %swap3A_537 = arith.constant 3 : i32
    %swap3A_538 = arith.index_cast %swap3A_537 : i32 to index
    %swap3A_539 = arith.constant 80 : index
    %swap3A_540 = tpu.vector_load %arg5[%swap3A_538, %swap3A_539] {strides = array<i32>} : memref<4x128xi32, #tpu.memory_space<vmem>>, vector<1x16xi32>,
    %swap3A_541 = vector.shape_cast %swap3A_540 : vector<1x16xi32> to vector<16xi32>
    %swap3A_542 = vector.shape_cast %add3A_536 : vector<16xi32> to vector<1x16xi32>
    tpu.vector_store %arg5[%swap3A_538, %swap3A_539], %swap3A_542 {strides = array<i32>} : memref<4x128xi32, #tpu.memory_space<vmem>>, vector<1x16xi32>,
    %get3A_543 = arith.constant 3 : i32
    %get3A_544 = arith.index_cast %get3A_543 : i32 to index
    %get3A_545 = arith.constant 96 : index
    %get3A_546 = tpu.vector_load %arg5[%get3A_544, %get3A_545] {strides = array<i32>} : memref<4x128xi32, #tpu.memory_space<vmem>>, vector<1x16xi32>,
    %get3A_547 = vector.shape_cast %get3A_546 : vector<1x16xi32> to vector<16xi32>
    %mul3A_548 = arith.constant 8 : i32
    %mul3A_549 = vector.broadcast %mul3A_548 : i32 to vector<16xi32>
    %mul3A_550 = arith.muli %mul3A_549, %iota3A : vector<16xi32>
    %add3A_551 = arith.constant 1792 : i32
    %add3A_552 = vector.broadcast %add3A_551 : i32 to vector<16xi32>
    %add3A_553 = arith.addi %add3A_552, %mul3A_550 : vector<16xi32>
    %add3A_554 = arith.addi %get3A_547, %add3A_553 : vector<16xi32>
    %swap3A_555 = arith.constant 3 : i32
    %swap3A_556 = arith.index_cast %swap3A_555 : i32 to index
    %swap3A_557 = arith.constant 96 : index
    %swap3A_558 = tpu.vector_load %arg5[%swap3A_556, %swap3A_557] {strides = array<i32>} : memref<4x128xi32, #tpu.memory_space<vmem>>, vector<1x16xi32>,
    %swap3A_559 = vector.shape_cast %swap3A_558 : vector<1x16xi32> to vector<16xi32>
    %swap3A_560 = vector.shape_cast %add3A_554 : vector<16xi32> to vector<1x16xi32>
    tpu.vector_store %arg5[%swap3A_556, %swap3A_557], %swap3A_560 {strides = array<i32>} : memref<4x128xi32, #tpu.memory_space<vmem>>, vector<1x16xi32>,
    %get3A_561 = arith.constant 3 : i32
    %get3A_562 = arith.index_cast %get3A_561 : i32 to index
    %get3A_563 = arith.constant 112 : index
    %get3A_564 = tpu.vector_load %arg5[%get3A_562, %get3A_563] {strides = array<i32>} : memref<4x128xi32, #tpu.memory_space<vmem>>, vector<1x16xi32>,
    %get3A_565 = vector.shape_cast %get3A_564 : vector<1x16xi32> to vector<16xi32>
    %mul3A_566 = arith.constant 8 : i32
    %mul3A_567 = vector.broadcast %mul3A_566 : i32 to vector<16xi32>
    %mul3A_568 = arith.muli %mul3A_567, %iota3A : vector<16xi32>
    %add3A_569 = arith.constant 1920 : i32
    %add3A_570 = vector.broadcast %add3A_569 : i32 to vector<16xi32>
    %add3A_571 = arith.addi %add3A_570, %mul3A_568 : vector<16xi32>
    %add3A_572 = arith.addi %get3A_565, %add3A_571 : vector<16xi32>
    %swap3A_573 = arith.constant 3 : i32
    %swap3A_574 = arith.index_cast %swap3A_573 : i32 to index
    %swap3A_575 = arith.constant 112 : index
    %swap3A_576 = tpu.vector_load %arg5[%swap3A_574, %swap3A_575] {strides = array<i32>} : memref<4x128xi32, #tpu.memory_space<vmem>>, vector<1x16xi32>,
    %swap3A_577 = vector.shape_cast %swap3A_576 : vector<1x16xi32> to vector<16xi32>
    %swap3A_578 = vector.shape_cast %add3A_572 : vector<16xi32> to vector<1x16xi32>
    tpu.vector_store %arg5[%swap3A_574, %swap3A_575], %swap3A_578 {strides = array<i32>} : memref<4x128xi32, #tpu.memory_space<vmem>>, vector<1x16xi32>,
    %dma_start3A = arith.constant 0 : i32
    %dma_start3A_579 = arith.constant 0 : i32
    %dma_start3A_580 = arith.constant 0 : i32
    %dma_start3A_581 = arith.constant 0 : i32
    %dma_start3A_582 = tpu.memref_slice %arg6[%dma_start3A_579, %dma_start3A_580, %dma_start3A_581] : memref<4x128x128xf32, #tpu.memory_space<vmem>> -> memref<1x128x128xf32, #tpu.memory_space<vmem>>
    %dma_start3A_583 = tpu.memref_squeeze %dma_start3A_582 : memref<1x128x128xf32, #tpu.memory_space<vmem>> -> memref<128x128xf32, #tpu.memory_space<vmem>>
    %dma_start3A_584 = arith.constant 0 : i32
    %dma_start3A_585 = tpu.memref_slice %arg5[%dma_start3A, %dma_start3A_584] : memref<4x128xi32, #tpu.memory_space<vmem>> -> memref<1x128xi32, #tpu.memory_space<vmem>>
    %dma_start3A_586 = tpu.memref_squeeze %dma_start3A_585 : memref<1x128xi32, #tpu.memory_space<vmem>> -> memref<128xi32, #tpu.memory_space<vmem>>
    %dma_start3A_587 = arith.constant 0 : i32
    %dma_start3A_588 = arith.constant 0 : i32
    %dma_start3A_589 = tpu.memref_slice %arg2[%dma_start3A_587, %dma_start3A_588] : memref<2048x128xf32, #tpu.memory_space<hbm>> -> memref<2048x128xf32, #tpu.memory_space<hbm>>
    tpu.enqueue_indirect_dma source(%dma_start3A_589 : memref<2048x128xf32, #tpu.memory_space<hbm>>) target(%dma_start3A_583 : memref<128x128xf32, #tpu.memory_space<vmem>>) offsets(%dma_start3A_586 : memref<128xi32, #tpu.memory_space<vmem>>) semaphore(%arg7 : memref<!tpu.dma_semaphore, #tpu.memory_space<semaphore_mem>>)
    %dma_start3A_590 = arith.constant 1 : i32
    %dma_start3A_591 = arith.constant 1 : i32
    %dma_start3A_592 = arith.constant 0 : i32
    %dma_start3A_593 = arith.constant 0 : i32
    %dma_start3A_594 = tpu.memref_slice %arg6[%dma_start3A_591, %dma_start3A_592, %dma_start3A_593] : memref<4x128x128xf32, #tpu.memory_space<vmem>> -> memref<1x128x128xf32, #tpu.memory_space<vmem>>
    %dma_start3A_595 = tpu.memref_squeeze %dma_start3A_594 : memref<1x128x128xf32, #tpu.memory_space<vmem>> -> memref<128x128xf32, #tpu.memory_space<vmem>>
    %dma_start3A_596 = arith.constant 0 : i32
    %dma_start3A_597 = tpu.memref_slice %arg5[%dma_start3A_590, %dma_start3A_596] : memref<4x128xi32, #tpu.memory_space<vmem>> -> memref<1x128xi32, #tpu.memory_space<vmem>>
    %dma_start3A_598 = tpu.memref_squeeze %dma_start3A_597 : memref<1x128xi32, #tpu.memory_space<vmem>> -> memref<128xi32, #tpu.memory_space<vmem>>
    %dma_start3A_599 = arith.constant 0 : i32
    %dma_start3A_600 = arith.constant 0 : i32
    %dma_start3A_601 = tpu.memref_slice %arg2[%dma_start3A_599, %dma_start3A_600] : memref<2048x128xf32, #tpu.memory_space<hbm>> -> memref<2048x128xf32, #tpu.memory_space<hbm>>
    tpu.enqueue_indirect_dma source(%dma_start3A_601 : memref<2048x128xf32, #tpu.memory_space<hbm>>) target(%dma_start3A_595 : memref<128x128xf32, #tpu.memory_space<vmem>>) offsets(%dma_start3A_598 : memref<128xi32, #tpu.memory_space<vmem>>) semaphore(%arg7 : memref<!tpu.dma_semaphore, #tpu.memory_space<semaphore_mem>>)
    %dma_start3A_602 = arith.constant 2 : i32
    %dma_start3A_603 = arith.constant 2 : i32
    %dma_start3A_604 = arith.constant 0 : i32
    %dma_start3A_605 = arith.constant 0 : i32
    %dma_start3A_606 = tpu.memref_slice %arg6[%dma_start3A_603, %dma_start3A_604, %dma_start3A_605] : memref<4x128x128xf32, #tpu.memory_space<vmem>> -> memref<1x128x128xf32, #tpu.memory_space<vmem>>
    %dma_start3A_607 = tpu.memref_squeeze %dma_start3A_606 : memref<1x128x128xf32, #tpu.memory_space<vmem>> -> memref<128x128xf32, #tpu.memory_space<vmem>>
    %dma_start3A_608 = arith.constant 0 : i32
    %dma_start3A_609 = tpu.memref_slice %arg5[%dma_start3A_602, %dma_start3A_608] : memref<4x128xi32, #tpu.memory_space<vmem>> -> memref<1x128xi32, #tpu.memory_space<vmem>>
    %dma_start3A_610 = tpu.memref_squeeze %dma_start3A_609 : memref<1x128xi32, #tpu.memory_space<vmem>> -> memref<128xi32, #tpu.memory_space<vmem>>
    %dma_start3A_611 = arith.constant 0 : i32
    %dma_start3A_612 = arith.constant 0 : i32
    %dma_start3A_613 = tpu.memref_slice %arg2[%dma_start3A_611, %dma_start3A_612] : memref<2048x128xf32, #tpu.memory_space<hbm>> -> memref<2048x128xf32, #tpu.memory_space<hbm>>
    tpu.enqueue_indirect_dma source(%dma_start3A_613 : memref<2048x128xf32, #tpu.memory_space<hbm>>) target(%dma_start3A_607 : memref<128x128xf32, #tpu.memory_space<vmem>>) offsets(%dma_start3A_610 : memref<128xi32, #tpu.memory_space<vmem>>) semaphore(%arg7 : memref<!tpu.dma_semaphore, #tpu.memory_space<semaphore_mem>>)
    %dma_start3A_614 = arith.constant 3 : i32
    %dma_start3A_615 = arith.constant 3 : i32
    %dma_start3A_616 = arith.constant 0 : i32
    %dma_start3A_617 = arith.constant 0 : i32
    %dma_start3A_618 = tpu.memref_slice %arg6[%dma_start3A_615, %dma_start3A_616, %dma_start3A_617] : memref<4x128x128xf32, #tpu.memory_space<vmem>> -> memref<1x128x128xf32, #tpu.memory_space<vmem>>
    %dma_start3A_619 = tpu.memref_squeeze %dma_start3A_618 : memref<1x128x128xf32, #tpu.memory_space<vmem>> -> memref<128x128xf32, #tpu.memory_space<vmem>>
    %dma_start3A_620 = arith.constant 0 : i32
    %dma_start3A_621 = tpu.memref_slice %arg5[%dma_start3A_614, %dma_start3A_620] : memref<4x128xi32, #tpu.memory_space<vmem>> -> memref<1x128xi32, #tpu.memory_space<vmem>>
    %dma_start3A_622 = tpu.memref_squeeze %dma_start3A_621 : memref<1x128xi32, #tpu.memory_space<vmem>> -> memref<128xi32, #tpu.memory_space<vmem>>
    %dma_start3A_623 = arith.constant 0 : i32
    %dma_start3A_624 = arith.constant 0 : i32
    %dma_start3A_625 = tpu.memref_slice %arg2[%dma_start3A_623, %dma_start3A_624] : memref<2048x128xf32, #tpu.memory_space<hbm>> -> memref<2048x128xf32, #tpu.memory_space<hbm>>
    tpu.enqueue_indirect_dma source(%dma_start3A_625 : memref<2048x128xf32, #tpu.memory_space<hbm>>) target(%dma_start3A_619 : memref<128x128xf32, #tpu.memory_space<vmem>>) offsets(%dma_start3A_622 : memref<128xi32, #tpu.memory_space<vmem>>) semaphore(%arg7 : memref<!tpu.dma_semaphore, #tpu.memory_space<semaphore_mem>>)
    %dma_wait3A = arith.constant 0 : i32
    %dma_wait3A_626 = arith.constant 0 : i32
    %dma_wait3A_627 = arith.constant 0 : i32
    %dma_wait3A_628 = arith.constant 0 : i32
    %dma_wait3A_629 = tpu.memref_slice %arg6[%dma_wait3A_626, %dma_wait3A_627, %dma_wait3A_628] : memref<4x128x128xf32, #tpu.memory_space<vmem>> -> memref<1x128x128xf32, #tpu.memory_space<vmem>>
    %dma_wait3A_630 = tpu.memref_squeeze %dma_wait3A_629 : memref<1x128x128xf32, #tpu.memory_space<vmem>> -> memref<128x128xf32, #tpu.memory_space<vmem>>
    %dma_wait3A_631 = arith.constant 0 : i32
    %dma_wait3A_632 = tpu.memref_slice %arg5[%dma_wait3A, %dma_wait3A_631] : memref<4x128xi32, #tpu.memory_space<vmem>> -> memref<1x128xi32, #tpu.memory_space<vmem>>
    %dma_wait3A_633 = tpu.memref_squeeze %dma_wait3A_632 : memref<1x128xi32, #tpu.memory_space<vmem>> -> memref<128xi32, #tpu.memory_space<vmem>>
    %dma_wait3A_634 = arith.constant 0 : i32
    %dma_wait3A_635 = arith.constant 0 : i32
    %dma_wait3A_636 = tpu.memref_slice %arg2[%dma_wait3A_634, %dma_wait3A_635] : memref<2048x128xf32, #tpu.memory_space<hbm>> -> memref<2048x128xf32, #tpu.memory_space<hbm>>
    tpu.wait_indirect_dma semaphore(%arg7 : memref<!tpu.dma_semaphore, #tpu.memory_space<semaphore_mem>>) src(%dma_wait3A_636 : memref<2048x128xf32, #tpu.memory_space<hbm>>) dst(%dma_wait3A_630 : memref<128x128xf32, #tpu.memory_space<vmem>>)
    %add3A_637 = arith.constant 0 : i32
    %add3A_638 = arith.addi %mul3A_2, %add3A_637 : i32
    %dma_start3A_639 = arith.constant 0 : i32
    %dma_start3A_640 = arith.constant 0 : i32
    %dma_start3A_641 = arith.constant 0 : i32
    %dma_start3A_642 = tpu.memref_slice %arg6[%dma_start3A_639, %dma_start3A_640, %dma_start3A_641] : memref<4x128x128xf32, #tpu.memory_space<vmem>> -> memref<1x128x128xf32, #tpu.memory_space<vmem>>
    %dma_start3A_643 = tpu.memref_squeeze %dma_start3A_642 : memref<1x128x128xf32, #tpu.memory_space<vmem>> -> memref<128x128xf32, #tpu.memory_space<vmem>>
    %dma_start3A_644 = arith.constant 0 : i32
    %dma_start3A_645 = tpu.memref_slice %arg4[%add3A_638, %dma_start3A_644] : memref<16384x128xf32, #tpu.memory_space<hbm>> -> memref<128x128xf32, #tpu.memory_space<hbm>>
    %dma_start3A_646 = arith.constant 0 : i32
    %dma_start3A_647 = tpu.memref_slice %arg4[%add3A_638, %dma_start3A_646] : memref<16384x128xf32, #tpu.memory_space<hbm>> -> memref<128x128xf32, #tpu.memory_space<hbm>>
    %dma_start3A_648 = arith.constant 0 : i32
    %dma_start3A_649 = arith.constant 0 : i32
    %dma_start3A_650 = tpu.memref_slice %arg6[%dma_start3A_639, %dma_start3A_648, %dma_start3A_649] : memref<4x128x128xf32, #tpu.memory_space<vmem>> -> memref<1x128x128xf32, #tpu.memory_space<vmem>>
    %dma_start3A_651 = tpu.memref_squeeze %dma_start3A_650 : memref<1x128x128xf32, #tpu.memory_space<vmem>> -> memref<128x128xf32, #tpu.memory_space<vmem>>
    tpu.enqueue_dma source(%dma_start3A_651 : memref<128x128xf32, #tpu.memory_space<vmem>>) target(%dma_start3A_647 : memref<128x128xf32, #tpu.memory_space<hbm>>) target_semaphore(%arg8 : memref<!tpu.dma_semaphore, #tpu.memory_space<semaphore_mem>>)
    %dma_wait3A_652 = arith.constant 1 : i32
    %dma_wait3A_653 = arith.constant 1 : i32
    %dma_wait3A_654 = arith.constant 0 : i32
    %dma_wait3A_655 = arith.constant 0 : i32
    %dma_wait3A_656 = tpu.memref_slice %arg6[%dma_wait3A_653, %dma_wait3A_654, %dma_wait3A_655] : memref<4x128x128xf32, #tpu.memory_space<vmem>> -> memref<1x128x128xf32, #tpu.memory_space<vmem>>
    %dma_wait3A_657 = tpu.memref_squeeze %dma_wait3A_656 : memref<1x128x128xf32, #tpu.memory_space<vmem>> -> memref<128x128xf32, #tpu.memory_space<vmem>>
    %dma_wait3A_658 = arith.constant 0 : i32
    %dma_wait3A_659 = tpu.memref_slice %arg5[%dma_wait3A_652, %dma_wait3A_658] : memref<4x128xi32, #tpu.memory_space<vmem>> -> memref<1x128xi32, #tpu.memory_space<vmem>>
    %dma_wait3A_660 = tpu.memref_squeeze %dma_wait3A_659 : memref<1x128xi32, #tpu.memory_space<vmem>> -> memref<128xi32, #tpu.memory_space<vmem>>
    %dma_wait3A_661 = arith.constant 0 : i32
    %dma_wait3A_662 = arith.constant 0 : i32
    %dma_wait3A_663 = tpu.memref_slice %arg2[%dma_wait3A_661, %dma_wait3A_662] : memref<2048x128xf32, #tpu.memory_space<hbm>> -> memref<2048x128xf32, #tpu.memory_space<hbm>>
    tpu.wait_indirect_dma semaphore(%arg7 : memref<!tpu.dma_semaphore, #tpu.memory_space<semaphore_mem>>) src(%dma_wait3A_663 : memref<2048x128xf32, #tpu.memory_space<hbm>>) dst(%dma_wait3A_657 : memref<128x128xf32, #tpu.memory_space<vmem>>)
    %add3A_664 = arith.constant 128 : i32
    %add3A_665 = arith.addi %mul3A_2, %add3A_664 : i32
    %dma_start3A_666 = arith.constant 1 : i32
    %dma_start3A_667 = arith.constant 0 : i32
    %dma_start3A_668 = arith.constant 0 : i32
    %dma_start3A_669 = tpu.memref_slice %arg6[%dma_start3A_666, %dma_start3A_667, %dma_start3A_668] : memref<4x128x128xf32, #tpu.memory_space<vmem>> -> memref<1x128x128xf32, #tpu.memory_space<vmem>>
    %dma_start3A_670 = tpu.memref_squeeze %dma_start3A_669 : memref<1x128x128xf32, #tpu.memory_space<vmem>> -> memref<128x128xf32, #tpu.memory_space<vmem>>
    %dma_start3A_671 = arith.constant 0 : i32
    %dma_start3A_672 = tpu.memref_slice %arg4[%add3A_665, %dma_start3A_671] : memref<16384x128xf32, #tpu.memory_space<hbm>> -> memref<128x128xf32, #tpu.memory_space<hbm>>
    %dma_start3A_673 = arith.constant 0 : i32
    %dma_start3A_674 = tpu.memref_slice %arg4[%add3A_665, %dma_start3A_673] : memref<16384x128xf32, #tpu.memory_space<hbm>> -> memref<128x128xf32, #tpu.memory_space<hbm>>
    %dma_start3A_675 = arith.constant 0 : i32
    %dma_start3A_676 = arith.constant 0 : i32
    %dma_start3A_677 = tpu.memref_slice %arg6[%dma_start3A_666, %dma_start3A_675, %dma_start3A_676] : memref<4x128x128xf32, #tpu.memory_space<vmem>> -> memref<1x128x128xf32, #tpu.memory_space<vmem>>
    %dma_start3A_678 = tpu.memref_squeeze %dma_start3A_677 : memref<1x128x128xf32, #tpu.memory_space<vmem>> -> memref<128x128xf32, #tpu.memory_space<vmem>>
    tpu.enqueue_dma source(%dma_start3A_678 : memref<128x128xf32, #tpu.memory_space<vmem>>) target(%dma_start3A_674 : memref<128x128xf32, #tpu.memory_space<hbm>>) target_semaphore(%arg8 : memref<!tpu.dma_semaphore, #tpu.memory_space<semaphore_mem>>)
    %dma_wait3A_679 = arith.constant 2 : i32
    %dma_wait3A_680 = arith.constant 2 : i32
    %dma_wait3A_681 = arith.constant 0 : i32
    %dma_wait3A_682 = arith.constant 0 : i32
    %dma_wait3A_683 = tpu.memref_slice %arg6[%dma_wait3A_680, %dma_wait3A_681, %dma_wait3A_682] : memref<4x128x128xf32, #tpu.memory_space<vmem>> -> memref<1x128x128xf32, #tpu.memory_space<vmem>>
    %dma_wait3A_684 = tpu.memref_squeeze %dma_wait3A_683 : memref<1x128x128xf32, #tpu.memory_space<vmem>> -> memref<128x128xf32, #tpu.memory_space<vmem>>
    %dma_wait3A_685 = arith.constant 0 : i32
    %dma_wait3A_686 = tpu.memref_slice %arg5[%dma_wait3A_679, %dma_wait3A_685] : memref<4x128xi32, #tpu.memory_space<vmem>> -> memref<1x128xi32, #tpu.memory_space<vmem>>
    %dma_wait3A_687 = tpu.memref_squeeze %dma_wait3A_686 : memref<1x128xi32, #tpu.memory_space<vmem>> -> memref<128xi32, #tpu.memory_space<vmem>>
    %dma_wait3A_688 = arith.constant 0 : i32
    %dma_wait3A_689 = arith.constant 0 : i32
    %dma_wait3A_690 = tpu.memref_slice %arg2[%dma_wait3A_688, %dma_wait3A_689] : memref<2048x128xf32, #tpu.memory_space<hbm>> -> memref<2048x128xf32, #tpu.memory_space<hbm>>
    tpu.wait_indirect_dma semaphore(%arg7 : memref<!tpu.dma_semaphore, #tpu.memory_space<semaphore_mem>>) src(%dma_wait3A_690 : memref<2048x128xf32, #tpu.memory_space<hbm>>) dst(%dma_wait3A_684 : memref<128x128xf32, #tpu.memory_space<vmem>>)
    %add3A_691 = arith.constant 256 : i32
    %add3A_692 = arith.addi %mul3A_2, %add3A_691 : i32
    %dma_start3A_693 = arith.constant 2 : i32
    %dma_start3A_694 = arith.constant 0 : i32
    %dma_start3A_695 = arith.constant 0 : i32
    %dma_start3A_696 = tpu.memref_slice %arg6[%dma_start3A_693, %dma_start3A_694, %dma_start3A_695] : memref<4x128x128xf32, #tpu.memory_space<vmem>> -> memref<1x128x128xf32, #tpu.memory_space<vmem>>
    %dma_start3A_697 = tpu.memref_squeeze %dma_start3A_696 : memref<1x128x128xf32, #tpu.memory_space<vmem>> -> memref<128x128xf32, #tpu.memory_space<vmem>>
    %dma_start3A_698 = arith.constant 0 : i32
    %dma_start3A_699 = tpu.memref_slice %arg4[%add3A_692, %dma_start3A_698] : memref<16384x128xf32, #tpu.memory_space<hbm>> -> memref<128x128xf32, #tpu.memory_space<hbm>>
    %dma_start3A_700 = arith.constant 0 : i32
    %dma_start3A_701 = tpu.memref_slice %arg4[%add3A_692, %dma_start3A_700] : memref<16384x128xf32, #tpu.memory_space<hbm>> -> memref<128x128xf32, #tpu.memory_space<hbm>>
    %dma_start3A_702 = arith.constant 0 : i32
    %dma_start3A_703 = arith.constant 0 : i32
    %dma_start3A_704 = tpu.memref_slice %arg6[%dma_start3A_693, %dma_start3A_702, %dma_start3A_703] : memref<4x128x128xf32, #tpu.memory_space<vmem>> -> memref<1x128x128xf32, #tpu.memory_space<vmem>>
    %dma_start3A_705 = tpu.memref_squeeze %dma_start3A_704 : memref<1x128x128xf32, #tpu.memory_space<vmem>> -> memref<128x128xf32, #tpu.memory_space<vmem>>
    tpu.enqueue_dma source(%dma_start3A_705 : memref<128x128xf32, #tpu.memory_space<vmem>>) target(%dma_start3A_701 : memref<128x128xf32, #tpu.memory_space<hbm>>) target_semaphore(%arg8 : memref<!tpu.dma_semaphore, #tpu.memory_space<semaphore_mem>>)
    %dma_wait3A_706 = arith.constant 3 : i32
    %dma_wait3A_707 = arith.constant 3 : i32
    %dma_wait3A_708 = arith.constant 0 : i32
    %dma_wait3A_709 = arith.constant 0 : i32
    %dma_wait3A_710 = tpu.memref_slice %arg6[%dma_wait3A_707, %dma_wait3A_708, %dma_wait3A_709] : memref<4x128x128xf32, #tpu.memory_space<vmem>> -> memref<1x128x128xf32, #tpu.memory_space<vmem>>
    %dma_wait3A_711 = tpu.memref_squeeze %dma_wait3A_710 : memref<1x128x128xf32, #tpu.memory_space<vmem>> -> memref<128x128xf32, #tpu.memory_space<vmem>>
    %dma_wait3A_712 = arith.constant 0 : i32
    %dma_wait3A_713 = tpu.memref_slice %arg5[%dma_wait3A_706, %dma_wait3A_712] : memref<4x128xi32, #tpu.memory_space<vmem>> -> memref<1x128xi32, #tpu.memory_space<vmem>>
    %dma_wait3A_714 = tpu.memref_squeeze %dma_wait3A_713 : memref<1x128xi32, #tpu.memory_space<vmem>> -> memref<128xi32, #tpu.memory_space<vmem>>
    %dma_wait3A_715 = arith.constant 0 : i32
    %dma_wait3A_716 = arith.constant 0 : i32
    %dma_wait3A_717 = tpu.memref_slice %arg2[%dma_wait3A_715, %dma_wait3A_716] : memref<2048x128xf32, #tpu.memory_space<hbm>> -> memref<2048x128xf32, #tpu.memory_space<hbm>>
    tpu.wait_indirect_dma semaphore(%arg7 : memref<!tpu.dma_semaphore, #tpu.memory_space<semaphore_mem>>) src(%dma_wait3A_717 : memref<2048x128xf32, #tpu.memory_space<hbm>>) dst(%dma_wait3A_711 : memref<128x128xf32, #tpu.memory_space<vmem>>)
    %add3A_718 = arith.constant 384 : i32
    %add3A_719 = arith.addi %mul3A_2, %add3A_718 : i32
    %dma_start3A_720 = arith.constant 3 : i32
    %dma_start3A_721 = arith.constant 0 : i32
    %dma_start3A_722 = arith.constant 0 : i32
    %dma_start3A_723 = tpu.memref_slice %arg6[%dma_start3A_720, %dma_start3A_721, %dma_start3A_722] : memref<4x128x128xf32, #tpu.memory_space<vmem>> -> memref<1x128x128xf32, #tpu.memory_space<vmem>>
    %dma_start3A_724 = tpu.memref_squeeze %dma_start3A_723 : memref<1x128x128xf32, #tpu.memory_space<vmem>> -> memref<128x128xf32, #tpu.memory_space<vmem>>
    %dma_start3A_725 = arith.constant 0 : i32
    %dma_start3A_726 = tpu.memref_slice %arg4[%add3A_719, %dma_start3A_725] : memref<16384x128xf32, #tpu.memory_space<hbm>> -> memref<128x128xf32, #tpu.memory_space<hbm>>
    %dma_start3A_727 = arith.constant 0 : i32
    %dma_start3A_728 = tpu.memref_slice %arg4[%add3A_719, %dma_start3A_727] : memref<16384x128xf32, #tpu.memory_space<hbm>> -> memref<128x128xf32, #tpu.memory_space<hbm>>
    %dma_start3A_729 = arith.constant 0 : i32
    %dma_start3A_730 = arith.constant 0 : i32
    %dma_start3A_731 = tpu.memref_slice %arg6[%dma_start3A_720, %dma_start3A_729, %dma_start3A_730] : memref<4x128x128xf32, #tpu.memory_space<vmem>> -> memref<1x128x128xf32, #tpu.memory_space<vmem>>
    %dma_start3A_732 = tpu.memref_squeeze %dma_start3A_731 : memref<1x128x128xf32, #tpu.memory_space<vmem>> -> memref<128x128xf32, #tpu.memory_space<vmem>>
    tpu.enqueue_dma source(%dma_start3A_732 : memref<128x128xf32, #tpu.memory_space<vmem>>) target(%dma_start3A_728 : memref<128x128xf32, #tpu.memory_space<hbm>>) target_semaphore(%arg8 : memref<!tpu.dma_semaphore, #tpu.memory_space<semaphore_mem>>)
    %dma_wait3A_733 = arith.constant 0 : i32
    %dma_wait3A_734 = arith.constant 0 : i32
    %dma_wait3A_735 = arith.constant 0 : i32
    %dma_wait3A_736 = tpu.memref_slice %arg6[%dma_wait3A_733, %dma_wait3A_734, %dma_wait3A_735] : memref<4x128x128xf32, #tpu.memory_space<vmem>> -> memref<1x128x128xf32, #tpu.memory_space<vmem>>
    %dma_wait3A_737 = tpu.memref_squeeze %dma_wait3A_736 : memref<1x128x128xf32, #tpu.memory_space<vmem>> -> memref<128x128xf32, #tpu.memory_space<vmem>>
    %dma_wait3A_738 = arith.constant 0 : i32
    %dma_wait3A_739 = tpu.memref_slice %arg4[%add3A_638, %dma_wait3A_738] : memref<16384x128xf32, #tpu.memory_space<hbm>> -> memref<128x128xf32, #tpu.memory_space<hbm>>
    %dma_wait3A_740 = arith.constant 0 : i32
    %dma_wait3A_741 = tpu.memref_slice %arg4[%add3A_638, %dma_wait3A_740] : memref<16384x128xf32, #tpu.memory_space<hbm>> -> memref<128x128xf32, #tpu.memory_space<hbm>>
    %dma_wait3A_742 = arith.constant 0 : i32
    %dma_wait3A_743 = arith.constant 0 : i32
    %dma_wait3A_744 = tpu.memref_slice %arg6[%dma_wait3A_733, %dma_wait3A_742, %dma_wait3A_743] : memref<4x128x128xf32, #tpu.memory_space<vmem>> -> memref<1x128x128xf32, #tpu.memory_space<vmem>>
    %dma_wait3A_745 = tpu.memref_squeeze %dma_wait3A_744 : memref<1x128x128xf32, #tpu.memory_space<vmem>> -> memref<128x128xf32, #tpu.memory_space<vmem>>
    tpu.wait_dma2 semaphore(%arg8 : memref<!tpu.dma_semaphore, #tpu.memory_space<semaphore_mem>>) src(%dma_wait3A_745 : memref<128x128xf32, #tpu.memory_space<vmem>>) dst(%dma_wait3A_741 : memref<128x128xf32, #tpu.memory_space<hbm>>)
    %dma_wait3A_746 = arith.constant 1 : i32
    %dma_wait3A_747 = arith.constant 0 : i32
    %dma_wait3A_748 = arith.constant 0 : i32
    %dma_wait3A_749 = tpu.memref_slice %arg6[%dma_wait3A_746, %dma_wait3A_747, %dma_wait3A_748] : memref<4x128x128xf32, #tpu.memory_space<vmem>> -> memref<1x128x128xf32, #tpu.memory_space<vmem>>
    %dma_wait3A_750 = tpu.memref_squeeze %dma_wait3A_749 : memref<1x128x128xf32, #tpu.memory_space<vmem>> -> memref<128x128xf32, #tpu.memory_space<vmem>>
    %dma_wait3A_751 = arith.constant 0 : i32
    %dma_wait3A_752 = tpu.memref_slice %arg4[%add3A_665, %dma_wait3A_751] : memref<16384x128xf32, #tpu.memory_space<hbm>> -> memref<128x128xf32, #tpu.memory_space<hbm>>
    %dma_wait3A_753 = arith.constant 0 : i32
    %dma_wait3A_754 = tpu.memref_slice %arg4[%add3A_665, %dma_wait3A_753] : memref<16384x128xf32, #tpu.memory_space<hbm>> -> memref<128x128xf32, #tpu.memory_space<hbm>>
    %dma_wait3A_755 = arith.constant 0 : i32
    %dma_wait3A_756 = arith.constant 0 : i32
    %dma_wait3A_757 = tpu.memref_slice %arg6[%dma_wait3A_746, %dma_wait3A_755, %dma_wait3A_756] : memref<4x128x128xf32, #tpu.memory_space<vmem>> -> memref<1x128x128xf32, #tpu.memory_space<vmem>>
    %dma_wait3A_758 = tpu.memref_squeeze %dma_wait3A_757 : memref<1x128x128xf32, #tpu.memory_space<vmem>> -> memref<128x128xf32, #tpu.memory_space<vmem>>
    tpu.wait_dma2 semaphore(%arg8 : memref<!tpu.dma_semaphore, #tpu.memory_space<semaphore_mem>>) src(%dma_wait3A_758 : memref<128x128xf32, #tpu.memory_space<vmem>>) dst(%dma_wait3A_754 : memref<128x128xf32, #tpu.memory_space<hbm>>)
    %dma_wait3A_759 = arith.constant 2 : i32
    %dma_wait3A_760 = arith.constant 0 : i32
    %dma_wait3A_761 = arith.constant 0 : i32
    %dma_wait3A_762 = tpu.memref_slice %arg6[%dma_wait3A_759, %dma_wait3A_760, %dma_wait3A_761] : memref<4x128x128xf32, #tpu.memory_space<vmem>> -> memref<1x128x128xf32, #tpu.memory_space<vmem>>
    %dma_wait3A_763 = tpu.memref_squeeze %dma_wait3A_762 : memref<1x128x128xf32, #tpu.memory_space<vmem>> -> memref<128x128xf32, #tpu.memory_space<vmem>>
    %dma_wait3A_764 = arith.constant 0 : i32
    %dma_wait3A_765 = tpu.memref_slice %arg4[%add3A_692, %dma_wait3A_764] : memref<16384x128xf32, #tpu.memory_space<hbm>> -> memref<128x128xf32, #tpu.memory_space<hbm>>
    %dma_wait3A_766 = arith.constant 0 : i32
    %dma_wait3A_767 = tpu.memref_slice %arg4[%add3A_692, %dma_wait3A_766] : memref<16384x128xf32, #tpu.memory_space<hbm>> -> memref<128x128xf32, #tpu.memory_space<hbm>>
    %dma_wait3A_768 = arith.constant 0 : i32
    %dma_wait3A_769 = arith.constant 0 : i32
    %dma_wait3A_770 = tpu.memref_slice %arg6[%dma_wait3A_759, %dma_wait3A_768, %dma_wait3A_769] : memref<4x128x128xf32, #tpu.memory_space<vmem>> -> memref<1x128x128xf32, #tpu.memory_space<vmem>>
    %dma_wait3A_771 = tpu.memref_squeeze %dma_wait3A_770 : memref<1x128x128xf32, #tpu.memory_space<vmem>> -> memref<128x128xf32, #tpu.memory_space<vmem>>
    tpu.wait_dma2 semaphore(%arg8 : memref<!tpu.dma_semaphore, #tpu.memory_space<semaphore_mem>>) src(%dma_wait3A_771 : memref<128x128xf32, #tpu.memory_space<vmem>>) dst(%dma_wait3A_767 : memref<128x128xf32, #tpu.memory_space<hbm>>)
    %dma_wait3A_772 = arith.constant 3 : i32
    %dma_wait3A_773 = arith.constant 0 : i32
    %dma_wait3A_774 = arith.constant 0 : i32
    %dma_wait3A_775 = tpu.memref_slice %arg6[%dma_wait3A_772, %dma_wait3A_773, %dma_wait3A_774] : memref<4x128x128xf32, #tpu.memory_space<vmem>> -> memref<1x128x128xf32, #tpu.memory_space<vmem>>
    %dma_wait3A_776 = tpu.memref_squeeze %dma_wait3A_775 : memref<1x128x128xf32, #tpu.memory_space<vmem>> -> memref<128x128xf32, #tpu.memory_space<vmem>>
    %dma_wait3A_777 = arith.constant 0 : i32
    %dma_wait3A_778 = tpu.memref_slice %arg4[%add3A_719, %dma_wait3A_777] : memref<16384x128xf32, #tpu.memory_space<hbm>> -> memref<128x128xf32, #tpu.memory_space<hbm>>
    %dma_wait3A_779 = arith.constant 0 : i32
    %dma_wait3A_780 = tpu.memref_slice %arg4[%add3A_719, %dma_wait3A_779] : memref<16384x128xf32, #tpu.memory_space<hbm>> -> memref<128x128xf32, #tpu.memory_space<hbm>>
    %dma_wait3A_781 = arith.constant 0 : i32
    %dma_wait3A_782 = arith.constant 0 : i32
    %dma_wait3A_783 = tpu.memref_slice %arg6[%dma_wait3A_772, %dma_wait3A_781, %dma_wait3A_782] : memref<4x128x128xf32, #tpu.memory_space<vmem>> -> memref<1x128x128xf32, #tpu.memory_space<vmem>>
    %dma_wait3A_784 = tpu.memref_squeeze %dma_wait3A_783 : memref<1x128x128xf32, #tpu.memory_space<vmem>> -> memref<128x128xf32, #tpu.memory_space<vmem>>
    tpu.wait_dma2 semaphore(%arg8 : memref<!tpu.dma_semaphore, #tpu.memory_space<semaphore_mem>>) src(%dma_wait3A_784 : memref<128x128xf32, #tpu.memory_space<vmem>>) dst(%dma_wait3A_780 : memref<128x128xf32, #tpu.memory_space<hbm>>)
    return
  }
}

module attributes {stable_mosaic.version = 14 : i64} {
  func.func @_tc_body(%arg0: i32, %arg1: memref<2048x128xf32, #tpu.memory_space<vmem>>, %arg2: memref<2048x128xf32, #tpu.memory_space<vmem>>, %arg3: memref<64x128xf32, #tpu.memory_space<vmem>>, %arg4: memref<1x64xf32, #tpu.memory_space<vmem>>, %arg5: memref<64x2048xf32, #tpu.memory_space<vmem>>, %arg6: memref<64x2048xf32, #tpu.memory_space<vmem>>, %arg7: memref<1x1xf32, #tpu.memory_space<smem>>, %arg8: memref<1x1xf32, #tpu.memory_space<smem>>, %arg9: memref<1xf32, #tpu.memory_space<smem>>, %arg10: memref<1xf32, #tpu.memory_space<smem>>) attributes {dimension_semantics = [#tpu.dimension_semantics<arbitrary>], iteration_bounds = array<i64: 8>, scalar_prefetch = 0 : i64, scratch_operands = 2 : i64, tpu.core_type = #tpu.core_type<tc>, window_params = [{transform_indices = @transform_0, window_bounds = array<i64: 2048, 128>}, {transform_indices = @transform_1, window_bounds = array<i64: 2048, 128>}, {pipeline_mode = #tpu.pipeline_mode<synchronous>, transform_indices = @transform_2, window_bounds = array<i64: 64, 128>}, {pipeline_mode = #tpu.pipeline_mode<synchronous>, transform_indices = @transform_3, window_bounds = array<i64: 1, 64>}, {transform_indices = @transform_4, window_bounds = array<i64: 64, 2048>}, {transform_indices = @transform_5, window_bounds = array<i64: 64, 2048>}, {transform_indices = @transform_6, window_bounds = array<i64: 1, 1>}, {transform_indices = @transform_7, window_bounds = array<i64: 1, 1>}]} {
    %eq3A = arith.constant 0 : i32
    %eq3A_0 = arith.cmpi eq, %arg0, %eq3A : i32
    %convert_element_type3A = arith.extui %eq3A_0 : i1 to i32
    %cond3A = arith.constant 0 : i32
    %cond3A_1 = arith.cmpi ne, %convert_element_type3A, %cond3A : i32
    scf.if %cond3A_1 {
      %swap3A_56 = arith.constant 0.000000e+00 : f32
      %swap3A_57 = arith.constant 0 : index
      %swap3A_58 = memref.load %arg9[%swap3A_57] : memref<1xf32, #tpu.memory_space<smem>>
      memref.store %swap3A_56, %arg9[%swap3A_57] : memref<1xf32, #tpu.memory_space<smem>>
      %swap3A_59 = arith.constant 0.000000e+00 : f32
      %swap3A_60 = arith.constant 0 : index
      %swap3A_61 = memref.load %arg10[%swap3A_60] : memref<1xf32, #tpu.memory_space<smem>>
      memref.store %swap3A_59, %arg10[%swap3A_60] : memref<1xf32, #tpu.memory_space<smem>>
    } else {
    }
    %get3A = arith.constant 0 : index
    %get3A_2 = arith.constant 0 : index
    %get3A_3 = vector.load %arg1[%get3A, %get3A_2] : memref<2048x128xf32, #tpu.memory_space<vmem>>, vector<2048x128xf32>
    %get3A_4 = arith.constant 0 : index
    %get3A_5 = arith.constant 0 : index
    %get3A_6 = vector.load %arg3[%get3A_4, %get3A_5] : memref<64x128xf32, #tpu.memory_space<vmem>>, vector<64x128xf32>
    %dot_general3A = arith.constant dense<0.000000e+00> : vector<2048x64xf32>
    %dot_general3A_7 = tpu.matmul %get3A_3, %get3A_6, %dot_general3A {dimension_numbers = #tpu.dot_dimension_numbers<[1], [1], [0], [0], [0, 0, 1, 0], [], []>, transpose_lhs_hint = false} : vector<2048x128xf32>, vector<64x128xf32>, vector<2048x64xf32> -> vector<2048x64xf32>
    %get3A_8 = arith.constant 0 : index
    %get3A_9 = arith.constant 0 : index
    %get3A_10 = vector.load %arg4[%get3A_8, %get3A_9] : memref<1x64xf32, #tpu.memory_space<vmem>>, vector<1x64xf32>
    %add3A = vector.broadcast %get3A_10 : vector<1x64xf32> to vector<2048x64xf32>
    %add3A_11 = arith.addf %dot_general3A_7, %add3A : vector<2048x64xf32>
    %get3A_12 = arith.constant 0 : index
    %get3A_13 = arith.constant 0 : index
    %get3A_14 = vector.load %arg2[%get3A_12, %get3A_13] : memref<2048x128xf32, #tpu.memory_space<vmem>>, vector<2048x64xf32>
    %max3A = arith.constant 0.000000e+00 : f32
    %max3A_15 = vector.broadcast %max3A : f32 to vector<2048x64xf32>
    %max3A_16 = arith.maximumf %get3A_14, %max3A_15 : vector<2048x64xf32>
    %mul3A = arith.mulf %add3A_11, %max3A_16 : vector<2048x64xf32>
    %mul3A_17 = arith.mulf %mul3A, %mul3A : vector<2048x64xf32>
    %reduce_sum3A = arith.constant dense<0.000000e+00> : vector<2048xf32>
    %reduce_sum3A_18 = vector.multi_reduction <add>, %mul3A_17, %reduce_sum3A [1] : vector<2048x64xf32> to vector<2048xf32>
    %broadcast_in_dim3A = vector.shape_cast %reduce_sum3A_18 : vector<2048xf32> to vector<2048x1xf32>
    %gt3A = arith.constant 0.000000e+00 : f32
    %gt3A_19 = vector.broadcast %gt3A : f32 to vector<2048x1xf32>
    %gt3A_20 = arith.cmpf ogt, %broadcast_in_dim3A, %gt3A_19 : vector<2048x1xf32>
    %rsqrt3A = math.rsqrt %broadcast_in_dim3A : vector<2048x1xf32>
    %jit3A = arith.constant 0.000000e+00 : f32
    %broadcast_in_dim3A_21 = vector.broadcast %jit3A : f32 to vector<2048x1xf32>
    %select_n3A = arith.select %gt3A_20, %rsqrt3A, %broadcast_in_dim3A_21 : vector<2048x1xi1>, vector<2048x1xf32>
    %transpose3A = tpu.transpose %add3A_11, [1, 0] : vector<2048x64xf32> -> vector<64x2048xf32>
    %swap3A = arith.constant 0 : index
    %swap3A_22 = arith.constant 0 : index
    %swap3A_23 = vector.load %arg5[%swap3A, %swap3A_22] : memref<64x2048xf32, #tpu.memory_space<vmem>>, vector<64x2048xf32>
    tpu.vector_store %arg5[%swap3A, %swap3A_22], %transpose3A {strides = array<i32>} : memref<64x2048xf32, #tpu.memory_space<vmem>>, vector<64x2048xf32>,
    %mul3A_24 = vector.broadcast %select_n3A : vector<2048x1xf32> to vector<2048x64xf32>
    %mul3A_25 = arith.mulf %mul3A, %mul3A_24 : vector<2048x64xf32>
    %transpose3A_26 = tpu.transpose %mul3A_25, [1, 0] : vector<2048x64xf32> -> vector<64x2048xf32>
    %swap3A_27 = arith.constant 0 : index
    %swap3A_28 = arith.constant 0 : index
    %swap3A_29 = vector.load %arg6[%swap3A_27, %swap3A_28] : memref<64x2048xf32, #tpu.memory_space<vmem>>, vector<64x2048xf32>
    tpu.vector_store %arg6[%swap3A_27, %swap3A_28], %transpose3A_26 {strides = array<i32>} : memref<64x2048xf32, #tpu.memory_space<vmem>>, vector<64x2048xf32>,
    %get3A_30 = arith.constant 0 : index
    %get3A_31 = memref.load %arg9[%get3A_30] : memref<1xf32, #tpu.memory_space<smem>>
    %reduce_sum3A_32 = vector.shape_cast %max3A_16 : vector<2048x64xf32> to vector<1x2048x64xf32>
    %reduce_sum3A_33 = arith.constant dense<0.000000e+00> : vector<1xf32>
    %reduce_sum3A_34 = vector.multi_reduction <add>, %reduce_sum3A_32, %reduce_sum3A_33 [1, 2] : vector<1x2048x64xf32> to vector<1xf32>
    %reduce_sum3A_35 = vector.shape_cast %reduce_sum3A_34 : vector<1xf32> to vector<1x1x1xf32>
    %reduce_sum3A_36 = vector.extract %reduce_sum3A_35[0, 0, 0] : f32 from vector<1x1x1xf32>
    %add3A_37 = arith.addf %get3A_31, %reduce_sum3A_36 : f32
    %swap3A_38 = arith.constant 0 : index
    %swap3A_39 = memref.load %arg9[%swap3A_38] : memref<1xf32, #tpu.memory_space<smem>>
    memref.store %add3A_37, %arg9[%swap3A_38] : memref<1xf32, #tpu.memory_space<smem>>
    %get3A_40 = arith.constant 0 : index
    %get3A_41 = memref.load %arg10[%get3A_40] : memref<1xf32, #tpu.memory_space<smem>>
    %mul3A_42 = arith.mulf %add3A_11, %add3A_11 : vector<2048x64xf32>
    %reduce_sum3A_43 = vector.shape_cast %mul3A_42 : vector<2048x64xf32> to vector<1x2048x64xf32>
    %reduce_sum3A_44 = arith.constant dense<0.000000e+00> : vector<1xf32>
    %reduce_sum3A_45 = vector.multi_reduction <add>, %reduce_sum3A_43, %reduce_sum3A_44 [1, 2] : vector<1x2048x64xf32> to vector<1xf32>
    %reduce_sum3A_46 = vector.shape_cast %reduce_sum3A_45 : vector<1xf32> to vector<1x1x1xf32>
    %reduce_sum3A_47 = vector.extract %reduce_sum3A_46[0, 0, 0] : f32 from vector<1x1x1xf32>
    %add3A_48 = arith.addf %get3A_41, %reduce_sum3A_47 : f32
    %swap3A_49 = arith.constant 0 : index
    %swap3A_50 = memref.load %arg10[%swap3A_49] : memref<1xf32, #tpu.memory_space<smem>>
    memref.store %add3A_48, %arg10[%swap3A_49] : memref<1xf32, #tpu.memory_space<smem>>
    %eq3A_51 = arith.constant 7 : i32
    %eq3A_52 = arith.cmpi eq, %arg0, %eq3A_51 : i32
    %convert_element_type3A_53 = arith.extui %eq3A_52 : i1 to i32
    %cond3A_54 = arith.constant 0 : i32
    %cond3A_55 = arith.cmpi ne, %convert_element_type3A_53, %cond3A_54 : i32
    scf.if %cond3A_55 {
      %get3A_56 = arith.constant 0 : index
      %get3A_57 = memref.load %arg9[%get3A_56] : memref<1xf32, #tpu.memory_space<smem>>
      %swap3A_58 = arith.constant 0 : index
      %swap3A_59 = arith.constant 0 : index
      %swap3A_60 = memref.load %arg7[%swap3A_58, %swap3A_59] : memref<1x1xf32, #tpu.memory_space<smem>>
      memref.store %get3A_57, %arg7[%swap3A_58, %swap3A_59] : memref<1x1xf32, #tpu.memory_space<smem>>
      %get3A_61 = arith.constant 0 : index
      %get3A_62 = memref.load %arg10[%get3A_61] : memref<1xf32, #tpu.memory_space<smem>>
      %sqrt3A = math.sqrt %get3A_62 : f32
      %swap3A_63 = arith.constant 0 : index
      %swap3A_64 = arith.constant 0 : index
      %swap3A_65 = memref.load %arg8[%swap3A_63, %swap3A_64] : memref<1x1xf32, #tpu.memory_space<smem>>
      memref.store %sqrt3A, %arg8[%swap3A_63, %swap3A_64] : memref<1x1xf32, #tpu.memory_space<smem>>
    } else {
    }
    return
  }
  func.func @transform_0(%arg0: i32) -> (i32, i32) {
    %c0_i32 = arith.constant 0 : i32
    %c0_i32_0 = arith.constant 0 : i32
    return %arg0, %c0_i32 : i32, i32
  }
  func.func @transform_1(%arg0: i32) -> (i32, i32) {
    %c0_i32 = arith.constant 0 : i32
    %c0_i32_0 = arith.constant 0 : i32
    return %arg0, %c0_i32 : i32, i32
  }
  func.func @transform_2(%arg0: i32) -> (i32, i32) {
    %c0_i32 = arith.constant 0 : i32
    %c0_i32_0 = arith.constant 0 : i32
    %c0_i32_1 = arith.constant 0 : i32
    return %c0_i32, %c0_i32_0 : i32, i32
  }
  func.func @transform_3(%arg0: i32) -> (i32, i32) {
    %c0_i32 = arith.constant 0 : i32
    %c0_i32_0 = arith.constant 0 : i32
    %c0_i32_1 = arith.constant 0 : i32
    return %c0_i32, %c0_i32_0 : i32, i32
  }
  func.func @transform_4(%arg0: i32) -> (i32, i32) {
    %c0_i32 = arith.constant 0 : i32
    %c0_i32_0 = arith.constant 0 : i32
    return %c0_i32, %arg0 : i32, i32
  }
  func.func @transform_5(%arg0: i32) -> (i32, i32) {
    %c0_i32 = arith.constant 0 : i32
    %c0_i32_0 = arith.constant 0 : i32
    return %c0_i32, %arg0 : i32, i32
  }
  func.func @transform_6(%arg0: i32) -> (i32, i32) {
    %c0_i32 = arith.constant 0 : i32
    %c0_i32_0 = arith.constant 0 : i32
    %c0_i32_1 = arith.constant 0 : i32
    return %c0_i32, %c0_i32_0 : i32, i32
  }
  func.func @transform_7(%arg0: i32) -> (i32, i32) {
    %c0_i32 = arith.constant 0 : i32
    %c0_i32_0 = arith.constant 0 : i32
    %c0_i32_1 = arith.constant 0 : i32
    return %c0_i32, %c0_i32_0 : i32, i32
  }
}

</mosaic_0001>

<sc_bundles>
// kernel: kernel.4.cloned.1.call-start
scs
__scs_entry_jumppad:
0x0: {  	(pc) =	sbr.rel $0x88, $3  }
0x1: {  	(tag) =	ssettag $0x0;
	lr =	simm.s32 $0x1  }
0x2: {  	[smem:$0x3F9C] =	sst lr;
	_ =	strace $0xD0000000  }
0x3: {  	_ = 	snop  }
0x4: {  	_ = 	snop  }
0x5: {  	_ = 	snop  }
0x6: {  	_ = 	snop  }
0x7: {  	_ = 	snop  }
__scs_overlays_trampoline_lowered:
0x8: {  	[smem:$0x3FAB] =	sst s0  }
0x9: {  	[smem:$0x3FAC] =	sst s1  }
0xa: {  	[smem:$0x3FAD] =	sst s2  }
0xb: {  	[smem:$0x3FAE] =	sst s3  }
0xc: {  	[smem:$0x3FAF] =	sst s4  }
0xd: {  	[smem:$0x3FB0] =	sst s5  }
0xe: {  	[smem:$0x3FB1] =	sst s6  }
0xf: {  	[smem:$0x3FB2] =	sst s7  }
0x10: {  	[smem:$0x3FB3] =	sst s8  }
0x11: {  	[smem:$0x3FB4] =	sst s9;
	s0 =	simm.s32 @!p0 $0x0  }
0x12: {  	s1 =	sld [smem:$0x3F9A];
	s0 =	simm.s32 @p0 $0x1  }
0x13: {  	[smem:$0x3FB5] =	sst s0;
	s0 =	simm.s32 @!p1 $0x0  }
0x14: {  	s2 =	sld [smem:$0x3F99];
	s0 =	simm.s32 @p1 $0x1  }
0x15: {  	[smem:$0x3FB6] =	sst s0;
	s0 =	simm.s32 @!p2 $0x0  }
0x16: {  	s3 =	sld [smem:$0x3FDB];
	s0 =	simm.s32 @p2 $0x1  }
0x17: {  	s4 =	simm.s32 $0x1BF5;
	[smem:$0x3FB8] =	sst s0  }
0x18: {  	s0 =	sld [smem:$0x3F9B];
	_ =	swait.ge [sflag:s4], $0x0  }
0x19: {  	s7 =	sld [smem:$0x3F9C]  }
0x1a: {  	s8 =	sadd.s32 $0xFFFFE003, lr  }
0x1b: {  	s9 =	sadd.s32 $0xFFFFFEF7, lr;
	s5 =	simm.s32 $0xFFFFFFFF;
	p2 =	slt.u32 s8, $0xFFFFF086  }
0x1c: {  	p1 =	slt.u32 s9, $0xF7A;
	s5 =	simm.s32 @!p2 $0x0  }
0x1d: {  	s5 =	simm.s32 @p1 $0x1;
	p0 =	seq.s32 s7, s2  }
0x1e: {  	s7 =	smul.u32 @!p0 $0xF7A, s2;
	p2 =	seq.s32 @!p0 s5, $0x0  }
0x1f: {  	s9 =	smul.u32 $0xF7A, s1;
	s8 =	simm.s32 @!p0 $0x1BF5;
	p2 =	por !p2, p0  }
0x20: {  	[sflag:s8] =	ssyncset.s32 @!p0 $0xFFFFF086;
	s6 =	sadd.s32 @!p0 s3, s7;
	s7 =	simm.s32 @!p0 $0x108  }
0x21: {  	s3 =	sadd.s32 s3, s9;
	s6 =	sadd.s32 @!p0 $0x88, s6;
	s7 =	simm.s32 @p2 $0x1082  }
0x22: {  	[simem:s7], [sflag:s8] =	dma.local @!p0 [hbm:s6], $0xF7A  }
0x23: {  	s9 =	sor.u32 $0xD0000000, s2;
	s6 =	simm.s32 $0x108;
	_ =	swait.ge @!p0 [sflag:s8], $0x0  }
0x24: {  	s3 =	sadd.s32 $0x88, s3;
	s6 =	simm.s32 @!p1 $0x1082;
	[sflag:s4] =	ssyncset.s32 $0xFFFFF086  }
0x25: {  	[simem:s6], [sflag:s4] =	dma.local [hbm:s3], $0xF7A  }
0x26: {  	[smem:$0x3F9C] =	sst s1;
	(tag) =	ssettag s2;
	_ =	strace s9  }
0x27: {  	s1 =	sld [smem:$0x3FAC]  }
0x28: {  	s2 =	sld [smem:$0x3FAD]  }
0x29: {  	s4 =	sld [smem:$0x3FAF]  }
0x2a: {  	p0 =	seq.s32 s5, $0x0;
	s5 =	sld [smem:$0x3FB0]  }
0x2b: {  	s6 =	sld [smem:$0x3FB1]  }
0x2c: {  	s7 =	sld [smem:$0x3FB2]  }
0x2d: {  	s3 =	simm.s32 $0x108;
	s8 =	sld [smem:$0x3FB3]  }
0x2e: {  	s3 =	simm.s32 @!p0 $0x1082;
	s9 =	sld [smem:$0x3FB4]  }
0x2f: {  	lr =	sadd.s32 s0, s3;
	s0 =	sld [smem:$0x3FAB]  }
0x30: {  	s3 =	sld [smem:$0x3FAE]  }
0x31: {  	[smem:$0x3FB7] =	sst s10  }
0x32: {  	s10 =	sld [smem:$0x3FB5];
	_ =	sdelay $0x3  }
0x33: {  	p0 =	seq.s32 s10, $0x1;
	s10 =	sld [smem:$0x3FB7];
	_ =	sdelay $0x3  }
0x34: {  	[smem:$0x3FB7] =	sst s10  }
0x35: {  	s10 =	sld [smem:$0x3FB6];
	_ =	sdelay $0x3  }
0x36: {  	p1 =	seq.s32 s10, $0x1;
	s10 =	sld [smem:$0x3FB7];
	_ =	sdelay $0x3  }
0x37: {  	[smem:$0x3FB7] =	sst s10  }
0x38: {  	s10 =	sld [smem:$0x3FB8]  }
0x39: {  	_ = 	snop;
	(pc) =	sbr.ind lr, $3  }
0x3a: {  	_ = 	snop  }
0x3b: {  	_ = 	snop  }
0x3c: {  	p2 =	seq.s32 s10, $0x1;
	s10 =	sld [smem:$0x3FB7]  }
0x3d: {  	_ =	shalt  }
0x3e: {  	_ =	shalt  }
0x3f: {  	_ =	shalt  }
0x40: {  	_ =	shalt  }
0x41: {  	_ =	shalt  }
0x42: {  	_ =	shalt  }
0x43: {  	_ =	shalt  }
0x44: {  	_ =	shalt  }
0x45: {  	_ =	shalt  }
0x46: {  	_ =	shalt  }
0x47: {  	_ =	shalt  }
0x48: {  	_ =	shalt  }
0x49: {  	_ =	shalt  }
0x4a: {  	_ =	shalt  }
0x4b: {  	_ =	shalt  }
0x4c: {  	_ =	shalt  }
0x4d: {  	_ =	shalt  }
0x4e: {  	_ =	shalt  }
0x4f: {  	_ =	shalt  }
0x50: {  	_ =	shalt  }
0x51: {  	_ =	shalt  }
0x52: {  	_ =	shalt  }
0x53: {  	_ =	shalt  }
0x54: {  	_ =	shalt  }
0x55: {  	_ =	shalt  }
0x56: {  	_ =	shalt  }
0x57: {  	_ =	shalt  }
0x58: {  	_ =	shalt  }
0x59: {  	_ =	shalt  }
0x5a: {  	_ =	shalt  }
0x5b: {  	_ =	shalt  }
0x5c: {  	_ =	shalt  }
0x5d: {  	_ =	shalt  }
0x5e: {  	_ =	shalt  }
0x5f: {  	_ =	shalt  }
0x60: {  	_ =	shalt  }
0x61: {  	_ =	shalt  }
0x62: {  	_ =	shalt  }
0x63: {  	_ =	shalt  }
0x64: {  	_ =	shalt  }
0x65: {  	_ =	shalt  }
0x66: {  	_ =	shalt  }
0x67: {  	_ =	shalt  }
0x68: {  	_ =	shalt  }
0x69: {  	_ =	shalt  }
0x6a: {  	_ =	shalt  }
0x6b: {  	_ =	shalt  }
0x6c: {  	_ =	shalt  }
0x6d: {  	_ =	shalt  }
0x6e: {  	_ =	shalt  }
0x6f: {  	_ =	shalt  }
0x70: {  	_ =	shalt  }
0x71: {  	_ =	shalt  }
0x72: {  	_ =	shalt  }
0x73: {  	_ =	shalt  }
0x74: {  	_ =	shalt  }
0x75: {  	_ =	shalt  }
0x76: {  	_ =	shalt  }
0x77: {  	_ =	shalt  }
0x78: {  	_ =	shalt  }
0x79: {  	_ =	shalt  }
0x7a: {  	_ =	shalt  }
0x7b: {  	_ =	shalt  }
0x7c: {  	_ =	shalt  }
0x7d: {  	_ =	shalt  }
0x7e: {  	_ =	shalt  }
0x7f: {  	_ =	shalt  }
0x80: {  	_ =	shalt  }
0x81: {  	_ =	shalt  }
0x82: {  	_ =	shalt  }
0x83: {  	_ =	shalt  }
0x84: {  	_ =	shalt  }
0x85: {  	_ =	shalt  }
0x86: {  	_ =	shalt  }
0x87: {  	_ =	shalt  }
.Lfunc_end0:
.L_simem_size_0:
called_computation_lowered:
.L_overlay_start_0:
0x88: {  	s2 =	sld [smem:$0x3FD9]  }
0x89: {  	s3 =	sld [smem:$0x3FFE];
	_ =	sdelay $0x1  }
0x8a: {  	s1 =	srdreg.scid  }
0x8b: {  	s0 =	sand.u32 $0x1, s1  }
0x8c: {  	s14 =	sshll.u32 s0, $0xA;
	s2 =	sadd.s32 s3, s2  }
0x8d: {  	s2 =	sadd.s32 s2, s14  }
0x8e: {  	[smem:$0x3FC3] =	sst s2  }
0x8f: {  	_ = 	snop  }
0x90: {  	s2 =	sld [smem:$0x3FD0];
	_ =	sdelay $0x2  }
0x91: {  	s4 =	simm.s32 $0xA;
	s5 =	simm.s32 $0x10;
	s15 =	sld [smem:$0x3FC8]  }
0x92: {  	[smem:s5], [sflag:s4] =	dma.local [hbm:s2], $0x1  }
0x93: {  	_ =	swait.eq [sflag:s4], $0x1  }
0x94: {  	[sflag:s4] =	ssyncset.done $0x0  }
0x95: {  	[sflag:s4] =	ssyncadd.s32 $0xFFFFFFFF  }
0x96: {  	s16 =	sld [smem:$0x10];
	(tm) =	ssettm $0x1  }
0x97: {  	s17 =	sld [smem:$0x3FFB];
	_ =	sdelay $0x3  }
0x98: {  	_ =	strace s17  }
0x99: {  	s4 =	sld [smem:$0x3FFC];
	_ =	sdelay $0x3  }
0x9a: {  	_ =	strace s4  }
0x9b: {  	s4 =	sld [smem:$0x3FFD];
	_ =	sdelay $0x3  }
0x9c: {  	_ =	strace s4  }
0x9d: {  	_ =	strace $0x8FFFFFFF  }
0x9e: {  	s18 =	sld [smem:$0x3FDB];
	_ =	sdelay $0x1  }
0x9f: {  	s19 =	simm.s32 $_scs_section_size  }
0xa0: {  	s6 =	simm.s32 $_size__tile_overlayer_lowered;
	s7 =	simm.s32 $_tile_overlayer_lowered  }
0xa1: {  	s22 =	simm.s32 $0x1BFF;
	s21 =	sshll.u32 s7, $0x1;
	s4 =	sadd.s32 s19, s18  }
0xa2: {  	s8 =	simm.s32 $0x0;
	s20 =	sshll.u32 s6, $0x1;
	s6 =	sadd.s32 s21, s4  }
0xa3: {  	[timem:s8], [sflag:s22] =	dma.local [hbm:s6], s20  }
0xa4: {  	_ =	swait.ge [sflag:s22], s20  }
0xa5: {  	s5 =	ssub.s32 $0x0, s20;
	[sflag:s22] =	ssyncset.done $0x0  }
0xa6: {  	[sflag:s22] =	ssyncadd.s32 s5;
	_ =	sdelay $0x1  }
0xa7: {  	s23 =	simm.s32 $0x1B8B  }
0xa8: {  	_ =	swait.ge [sflag:s23], $0x1  }
0xa9: {  	[sflag:s23] =	ssyncset.done $0x0  }
0xaa: {  	s25 =	simm.s32 $0x1B8E;
	s24 =	sld [smem:$0x3FFE];
	[sflag:s23] =	ssyncadd.s32 $0xFFFFFFFF  }
0xab: {  	s26 =	simm.s32 $execute0_lowered;
	[smem:$0x3FD2] =	sst s25  }
0xac: {  	s6 =	sshll.u32 s26, $0x1;
	_ =	strace $0x80000046;
	[dreg:$0x1] =	wrdreg $0xFFFFFFFF  }
0xad: {  	s28 =	simm.s32 $_size_execute0_lowered;
	s4 =	sadd.s32 s4, s6;
	[dreg:$0x0] =	wrdreg $0x0  }
0xae: {  	s6 =	sshll.u32 s28, $0x1;
	[dreg:$0x2] =	wrdreg s4  }
0xaf: {  	[dreg:$0x3] =	wrdreg s6  }
0xb0: {  	[dreg:$0x4] =	wrdreg $0xC0  }
0xb1: {  	_ =	task [dreg:s8], $0x5FFFF  }
0xb2: {  	[dreg:$0x1] =	wrdreg $0xFFFFFFFF  }
0xb3: {  	[dreg:$0x0] =	wrdreg $0x60  }
0xb4: {  	[dreg:$0x2] =	wrdreg s16  }
0xb5: {  	[dreg:$0x3] =	wrdreg s15  }
0xb6: {  	[dreg:$0x4] =	wrdreg s24  }
0xb7: {  	[dreg:$0x5] =	wrdreg $0x9  }
0xb8: {  	_ =	task.clear_ibuf [dreg:s8], $0x6FFFF;
	_ =	strace $0x90000046  }
0xb9: {  	s29 =	simm.s32 $0x9;
	_ =	strace $0x80000048  }
0xba: {  	_ =	swait.ge [sflag:s29], $0x1  }
0xbb: {  	[sflag:s29] =	ssyncadd.s32 $0xFFFFFFFF  }
0xbc: {  	_ =	strace $0x90000048  }
0xbd: {  	_ =	sfence  }
0xbe: {  	s30 =	sld [smem:$0x0];
	_ =	sdelay $0x2  }
0xbf: {  	s31 =	sshll.u32 s1, $0xD;
	s1 =	sshrl.u32 s1, $0x2  }
0xc0: {  	s3 =	sand.u32 $0x4000, s31;
	s1 =	sadd.s32 s1, s30  }
0xc1: {  	s0 =	sor.u32 s3, s0;
	s1 =	sshll.u32 s1, $0x11  }
0xc2: {  	s0 =	sor.u32 s1, s0  }
0xc3: {  	s0 =	sadd.s32 $0x8F2B, s0  }
0xc4: {  	[sflag:s0] =	ssyncadd.remote.s32 $0x1  }
0xc5: {  	_ =	sfence.sel $0xFFFF  }
0xc6: {  	[dreg:$0x0] =	wrdreg $0xFFFFFFFF;
	(pc) =	sbr.abs _section_cstart, $3  }
0xc7: {  	[dreg:$0x1] =	wrdreg $0xFFFFFFFF  }
0xc8: {  	_ =	task.clear_ibuf [dreg:s8], $0x2FFFF;
	_ =	strace $0x9FFFFFFF  }
0xc9: {  	(tm) =	ssettm $0x7FFFFFFF  }
tec
execute0_lowered:
.L_overlay_start_1:
0x0: {  	(tag) =	ssettag $0x1  }
0x1: {  	s3 =	rddreg [dreg:$0x0]  }
0x2: {  	s4 =	rddreg [dreg:$0x1]  }
0x3: {  	s6 =	rddreg [dreg:$0x2];
	s1 =	srdreg.scid  }
0x4: {  	s0 =	rddreg [dreg:$0x3];
	s7 =	sand.u32 $0x1, s1  }
0x5: {  	s2 =	simm.s32 $0x0;
	s1 =	stileid.u32;
	s5 =	sshll.u32 s7, $0x6  }
0x6: {  	[smem:$0x7FF] =	sst s2;
	s8 =	sshll.u32 s1, $0x7;
	s4 =	sadd.s32 s4, s5  }
0x7: {  	_ =	strace $0x80000047;
	s5 =	simm.s32 $0x3;
	s4 =	sadd.s32 s8, s4  }
0x8: {  	[tilespmem:s2], [sflag:$0x3] =	stream.linear.gather [hbm4b:s4+s2], $0x200, $0x38;
	[tilespmem:$0x10200] =	vst v63  }
0x9: {  	_ =	swait.ge [sflag:s5], $0x200  }
0xa: {  	[sflag:s5] =	ssyncset.done $0x0  }
0xb: {  	[sflag:s5] =	ssyncadd.s32 $0xFFFFFE00  }
0xc: {  	v3 =	vld [tilespmem:$0x1F0]  }
0xd: {  	v4 =	vld [tilespmem:$0x1E0]  }
0xe: {  	v0 =	vlaneseq.u32;
	v5 =	vld [tilespmem:$0x130]  }
0xf: {  	v0 =	vmul.u32 $0x8, v0;
	v20 =	vld [tilespmem:$0xE0]  }
0x10: {  	v6 =	vld [tilespmem:$0x1D0]  }
0x11: {  	v1 =	vor.u32 $0x780, v0;
	v7 =	vld [tilespmem:$0x1C0]  }
0x12: {  	v2 =	vor.u32 $0x700, v0;
	v8 =	vld [tilespmem:$0x1B0];
	v9 =	vadd.s32 v1, v3  }
0x13: {  	v10 =	vld [tilespmem:$0x190];
	v11 =	vadd.s32 v2, v4;
	[tilespmem:$0x1F0] =	vst v9  }
0x14: {  	v12 =	vld [tilespmem:$0x180];
	v3 =	vor.u32 $0x180, v0;
	v20 =	vadd.s32 v2, v20;
	[tilespmem:$0x1E0] =	vst v11  }
0x15: {  	v13 =	vld [tilespmem:$0x160];
	v4 =	vor.u32 $0x680, v0;
	v9 =	vadd.s32 v3, v5;
	[tilespmem:$0xE0] =	vst v20  }
0x16: {  	v15 =	vld [tilespmem:$0x150];
	v5 =	vor.u32 $0x600, v0;
	[tilespmem:$0x130] =	vst v9;
	v9 =	vadd.s32 v4, v6  }
0x17: {  	v56 =	vld [tilespmem:$0x60];
	v6 =	vor.u32 $0x580, v0;
	v14 =	vadd.s32 v5, v7;
	[tilespmem:$0x1D0] =	vst v9  }
0x18: {  	v11 =	vld [tilespmem:$0x170];
	v7 =	vor.u32 $0x480, v0;
	v9 =	vadd.s32 v6, v8;
	[tilespmem:$0x1C0] =	vst v14  }
0x19: {  	v16 =	vld [tilespmem:$0xB0];
	v8 =	vor.u32 $0x400, v0;
	v10 =	vadd.s32 v7, v10;
	[tilespmem:$0x1B0] =	vst v9  }
0x1a: {  	v17 =	vld [tilespmem:$0x120];
	v12 =	vadd.s32 v8, v12;
	[tilespmem:$0x190] =	vst v10;
	v10 =	vor.u32 $0x300, v0  }
0x1b: {  	v53 =	vld [tilespmem:$0x100];
	[tilespmem:$0x180] =	vst v12;
	v13 =	vadd.s32 v10, v13  }
0x1c: {  	v21 =	vld [tilespmem:$0x30];
	v9 =	vor.u32 $0x380, v0;
	v20 =	vadd.s32 v10, v56;
	[tilespmem:$0x160] =	vst v13  }
0x1d: {  	v57 =	vld [tilespmem:$0x50];
	v18 =	vadd.s32 v9, v11;
	v11 =	vor.u32 $0x280, v0;
	[tilespmem:$0x60] =	vst v20  }
0x1e: {  	v14 =	vld [tilespmem:$0x140];
	[tilespmem:$0x170] =	vst v18;
	v15 =	vadd.s32 v11, v15  }
0x1f: {  	v13 =	vor.u32 $0x100, v0;
	[tilespmem:$0x150] =	vst v15;
	v15 =	vadd.s32 v6, v16;
	v16 =	vld [tilespmem:$0xD0]  }
0x20: {  	v17 =	vadd.s32 v13, v17;
	[tilespmem:$0xB0] =	vst v15;
	v15 =	vld [tilespmem:$0xC0]  }
0x21: {  	v18 =	vadd.s32 v0, v53;
	[tilespmem:$0x120] =	vst v17;
	v17 =	vld [tilespmem:$0xA0]  }
0x22: {  	v55 =	vld [tilespmem:$0x80];
	v12 =	vor.u32 $0x200, v0;
	v60 =	vadd.s32 v11, v57;
	[tilespmem:$0x100] =	vst v18  }
0x23: {  	v19 =	vld [tilespmem:$0x110];
	v14 =	vadd.s32 v12, v14;
	[tilespmem:$0x50] =	vst v60  }
0x24: {  	v54 =	vld [tilespmem:$0x90];
	[tilespmem:$0x140] =	vst v14;
	v16 =	vadd.s32 v4, v16  }
0x25: {  	v22 =	vadd.s32 v5, v15;
	[tilespmem:$0xD0] =	vst v16;
	v15 =	vor.u32 $0x500, v0;
	v16 =	vadd.s32 v3, v21  }
0x26: {  	[tilespmem:$0x30] =	vst v16;
	v16 =	vld [tilespmem:$0x40];
	v17 =	vadd.s32 v15, v17  }
0x27: {  	v18 =	vadd.s32 v8, v55;
	v14 =	vor.u32 $0x80, v0;
	[tilespmem:$0xA0] =	vst v17;
	v17 =	vld [tilespmem:$0x1A0]  }
0x28: {  	v58 =	vld [tilespmem:$0x20];
	[tilespmem:$0x80] =	vst v18;
	v19 =	vadd.s32 v14, v19  }
0x29: {  	v59 =	vld [tilespmem:$0x10];
	[tilespmem:$0x110] =	vst v19;
	v19 =	vadd.s32 v7, v54  }
0x2a: {  	v62 =	vld [tilespmem:$0x70];
	[tilespmem:$0x90] =	vst v19  }
0x2b: {  	v61 =	vld [tilespmem:$0xF0];
	[tilespmem:$0xC0] =	vst v22;
	v16 =	vadd.s32 v12, v16  }
0x2c: {  	s30 =	sshll.u32 s1, $0xE;
	s9 =	sshll.u32 s7, $0xD;
	s7 =	ssub.s32 $0x2, s7;
	v63 =	vld [tilespmem:$0x0];
	[tilespmem:$0x40] =	vst v16;
	v16 =	vadd.s32 v15, v17  }
0x2d: {  	s16 =	simm.s32 $0x80;
	s31 =	sshrl.u32 s7, $0x1;
	s8 =	sor.u32 s9, s30;
	v17 =	vadd.s32 v13, v58;
	[tilespmem:$0x1A0] =	vst v16  }
0x2e: {  	s15 =	simm.s32 $0x200;
	s6 =	sadd.s32 s8, s6;
	s8 =	ssub.s32 s7, s31;
	v16 =	vadd.s32 v14, v59;
	[tilespmem:$0x20] =	vst v17  }
0x2f: {  	s13 =	simm.s32 $0x4200;
	s17 =	simm.s32 $0x100;
	s19 =	smax.u32 s8, $0x1;
	v17 =	vadd.s32 v9, v62;
	[tilespmem:$0x10] =	vst v16  }
0x30: {  	s12 =	simm.s32 $0x8200;
	s18 =	simm.s32 $0x180;
	p0 =	sne.s32 s19, $0x1;
	v16 =	vadd.s32 v1, v61;
	[tilespmem:$0x70] =	vst v17  }
.Ltmp0:
0x31: {  	s11 =	simm.s32 $0xC200;
	s14 =	simm.s32 $0x1;
	[tilespmem:$0xF0] =	vst v16;
	v16 =	vadd.s32 v0, v63;
	(pc) =	sbr.rel @!p0 .LBB2_2-.Ltmp0, $4  }
0x32: {  	s10 =	sadd.s32 $0x1400, s6;
	s9 =	sadd.s32 $0x1C00, s6;
	s7 =	sadd.s32 $0x2400, s6;
	[tilespmem:$0x0] =	vst v16  }
0x33: {  	[tilespmem:s15], [sflag:$0x1] =	stream.indirect.gather [hbm4b:s3+s16], $0x80, s2, s16, $0xb8;
	[tilespmem:$0x10200] =	vst v63  }
0x34: {  	s6 =	sadd.s32 $0x2C00, s6;
	s8 =	simm.s32 $0x2;
	s19 =	sadd.s32 $0xFFFFFFFF, s19  }
0x35: {  	[tilespmem:s13], [sflag:$0x1] =	stream.indirect.gather [hbm4b:s3+s16], $0x80, s16, s16, $0xb8;
	[tilespmem:$0x10200] =	vst v63  }
.LBB2_1:
0x36: {  	p0 =	sne.s32 s19, $0x1;
	s19 =	sadd.s32 $0xFFFFFFFF, s19  }
0x37: {  	[tilespmem:s12], [sflag:$0x1] =	stream.indirect.gather [hbm4b:s3+s16], $0x80, s17, s16, $0xb8;
	[tilespmem:$0x10200] =	vst v63  }
0x38: {  	_ = 	snop  }
0x39: {  	[tilespmem:s11], [sflag:$0x1] =	stream.indirect.gather [hbm4b:s3+s16], $0x80, s18, s16, $0xb8;
	[tilespmem:$0x10200] =	vst v63  }
0x3a: {  	_ =	swait.ge [sflag:s14], $0x4000  }
0x3b: {  	[sflag:s14] =	ssyncset.done $0x0  }
0x3c: {  	[sflag:s14] =	ssyncadd.s32 $0xFFFFC000  }
0x3d: {  	[hbm4b:s10+s2] =	stream.linear.scatter [tilespmem:s15], [sflag:$0x2], $0x4000, $0x38;
	[tilespmem:$0x10200] =	vst v63  }
0x3e: {  	_ =	swait.ge [sflag:s14], $0x4000  }
0x3f: {  	[sflag:s14] =	ssyncset.done $0x0  }
0x40: {  	[sflag:s14] =	ssyncadd.s32 $0xFFFFC000  }
0x41: {  	[hbm4b:s9+s2] =	stream.linear.scatter [tilespmem:s13], [sflag:$0x2], $0x4000, $0x38;
	[tilespmem:$0x10200] =	vst v63  }
0x42: {  	_ =	swait.ge [sflag:s14], $0x4000  }
0x43: {  	[sflag:s14] =	ssyncset.done $0x0  }
0x44: {  	[sflag:s14] =	ssyncadd.s32 $0xFFFFC000  }
0x45: {  	[hbm4b:s7+s2] =	stream.linear.scatter [tilespmem:s12], [sflag:$0x2], $0x4000, $0x38;
	[tilespmem:$0x10200] =	vst v63  }
0x46: {  	_ =	swait.ge [sflag:s14], $0x4000  }
0x47: {  	[sflag:s14] =	ssyncset.done $0x0  }
0x48: {  	[sflag:s14] =	ssyncadd.s32 $0xFFFFC000  }
0x49: {  	[hbm4b:s6+s2] =	stream.linear.scatter [tilespmem:s11], [sflag:$0x2], $0x4000, $0x38;
	[tilespmem:$0x10200] =	vst v63  }
0x4a: {  	_ =	swait.ge [sflag:s8], $0x4000  }
0x4b: {  	[sflag:s8] =	ssyncset.done $0x0  }
0x4c: {  	[sflag:s8] =	ssyncadd.s32 $0xFFFFC000  }
0x4d: {  	_ =	swait.ge [sflag:s8], $0x4000  }
0x4e: {  	[sflag:s8] =	ssyncset.done $0x0  }
0x4f: {  	[sflag:s8] =	ssyncadd.s32 $0xFFFFC000  }
0x50: {  	_ =	swait.ge [sflag:s8], $0x4000  }
0x51: {  	[sflag:s8] =	ssyncset.done $0x0  }
0x52: {  	[sflag:s8] =	ssyncadd.s32 $0xFFFFC000  }
0x53: {  	_ =	swait.ge [sflag:s8], $0x4000  }
0x54: {  	[sflag:s8] =	ssyncset.done $0x0  }
0x55: {  	[sflag:s8] =	ssyncadd.s32 $0xFFFFC000  }
0x56: {  	[tilespmem:s2], [sflag:$0x3] =	stream.linear.gather [hbm4b:s4+s2], $0x200, $0x38;
	[tilespmem:$0x10200] =	vst v63  }
0x57: {  	_ =	swait.ge [sflag:s5], $0x200  }
0x58: {  	[sflag:s5] =	ssyncset.done $0x0  }
0x59: {  	[sflag:s5] =	ssyncadd.s32 $0xFFFFFE00  }
0x5a: {  	v16 =	vld [tilespmem:$0x1F0]  }
0x5b: {  	v17 =	vld [tilespmem:$0x1E0]  }
0x5c: {  	v18 =	vld [tilespmem:$0x130]  }
0x5d: {  	v19 =	vld [tilespmem:$0x1D0]  }
0x5e: {  	v20 =	vld [tilespmem:$0x1C0]  }
0x5f: {  	v21 =	vld [tilespmem:$0x1B0];
	v16 =	vadd.s32 v1, v16  }
0x60: {  	v22 =	vld [tilespmem:$0x190];
	v17 =	vadd.s32 v2, v17;
	[tilespmem:$0x1F0] =	vst v16  }
0x61: {  	v16 =	vadd.s32 v3, v18;
	v18 =	vld [tilespmem:$0x180];
	[tilespmem:$0x1E0] =	vst v17  }
0x62: {  	[tilespmem:$0x130] =	vst v16;
	v16 =	vld [tilespmem:$0x170];
	v17 =	vadd.s32 v4, v19  }
0x63: {  	v19 =	vld [tilespmem:$0x160];
	v20 =	vadd.s32 v5, v20;
	[tilespmem:$0x1D0] =	vst v17  }
0x64: {  	v17 =	vld [tilespmem:$0x150];
	v21 =	vadd.s32 v6, v21;
	[tilespmem:$0x1C0] =	vst v20  }
0x65: {  	v20 =	vld [tilespmem:$0x140];
	v22 =	vadd.s32 v7, v22;
	[tilespmem:$0x1B0] =	vst v21  }
0x66: {  	v21 =	vld [tilespmem:$0xB0];
	v18 =	vadd.s32 v8, v18;
	[tilespmem:$0x190] =	vst v22  }
0x67: {  	v22 =	vld [tilespmem:$0x120];
	v16 =	vadd.s32 v9, v16;
	[tilespmem:$0x180] =	vst v18  }
0x68: {  	v18 =	vld [tilespmem:$0x110];
	v19 =	vadd.s32 v10, v19;
	[tilespmem:$0x170] =	vst v16  }
0x69: {  	v16 =	vld [tilespmem:$0x100];
	v17 =	vadd.s32 v11, v17;
	[tilespmem:$0x160] =	vst v19  }
0x6a: {  	v19 =	vld [tilespmem:$0xE0];
	v20 =	vadd.s32 v12, v20;
	[tilespmem:$0x150] =	vst v17  }
0x6b: {  	v17 =	vadd.s32 v6, v21;
	v21 =	vld [tilespmem:$0xD0];
	[tilespmem:$0x140] =	vst v20  }
0x6c: {  	[tilespmem:$0xB0] =	vst v17;
	v17 =	vld [tilespmem:$0xC0];
	v20 =	vadd.s32 v13, v22  }
0x6d: {  	v22 =	vld [tilespmem:$0x30];
	v18 =	vadd.s32 v14, v18;
	[tilespmem:$0x120] =	vst v20  }
0x6e: {  	v20 =	vld [tilespmem:$0xA0];
	v16 =	vadd.s32 v0, v16;
	[tilespmem:$0x110] =	vst v18  }
0x6f: {  	v18 =	vld [tilespmem:$0x90];
	v19 =	vadd.s32 v2, v19;
	[tilespmem:$0x100] =	vst v16  }
0x70: {  	v16 =	vld [tilespmem:$0x80];
	v21 =	vadd.s32 v4, v21;
	[tilespmem:$0xE0] =	vst v19  }
0x71: {  	v19 =	vld [tilespmem:$0x60];
	v17 =	vadd.s32 v5, v17;
	[tilespmem:$0xD0] =	vst v21  }
0x72: {  	v21 =	vadd.s32 v3, v22;
	v22 =	vld [tilespmem:$0x50];
	[tilespmem:$0xC0] =	vst v17  }
0x73: {  	[tilespmem:$0x30] =	vst v21;
	v17 =	vld [tilespmem:$0x40];
	v20 =	vadd.s32 v15, v20  }
0x74: {  	v18 =	vadd.s32 v7, v18;
	[tilespmem:$0xA0] =	vst v20;
	v20 =	vld [tilespmem:$0x1A0]  }
0x75: {  	v21 =	vld [tilespmem:$0x20];
	v16 =	vadd.s32 v8, v16;
	[tilespmem:$0x90] =	vst v18  }
0x76: {  	v18 =	vld [tilespmem:$0x10];
	v19 =	vadd.s32 v10, v19;
	[tilespmem:$0x80] =	vst v16  }
0x77: {  	v16 =	vadd.s32 v11, v22;
	[tilespmem:$0x60] =	vst v19;
	v19 =	vld [tilespmem:$0xF0]  }
0x78: {  	v17 =	vadd.s32 v12, v17;
	[tilespmem:$0x50] =	vst v16;
	v16 =	vld [tilespmem:$0x70]  }
0x79: {  	v22 =	vld [tilespmem:$0x0];
	[tilespmem:$0x40] =	vst v17;
	v17 =	vadd.s32 v15, v20  }
0x7a: {  	v20 =	vadd.s32 v13, v21;
	[tilespmem:$0x1A0] =	vst v17  }
0x7b: {  	v17 =	vadd.s32 v14, v18;
	[tilespmem:$0x20] =	vst v20  }
0x7c: {  	[tilespmem:$0x10] =	vst v17;
	v17 =	vadd.s32 v1, v19  }
0x7d: {  	v16 =	vadd.s32 v9, v16;
	[tilespmem:$0xF0] =	vst v17  }
.Ltmp1:
0x7e: {  	v17 =	vadd.s32 v0, v22;
	[tilespmem:$0x70] =	vst v16;
	(pc) =	sbr.rel @p0 .LBB2_1-.Ltmp1, $4  }
0x7f: {  	[tilespmem:$0x0] =	vst v17  }
0x80: {  	[tilespmem:s15], [sflag:$0x1] =	stream.indirect.gather [hbm4b:s3+s16], $0x80, s2, s16, $0xb8;
	[tilespmem:$0x10200] =	vst v63  }
0x81: {  	_ = 	snop  }
0x82: {  	[tilespmem:s13], [sflag:$0x1] =	stream.indirect.gather [hbm4b:s3+s16], $0x80, s16, s16, $0xb8;
	[tilespmem:$0x10200] =	vst v63  }
.LBB2_2:
0x83: {  	[tilespmem:s12], [sflag:$0x1] =	stream.indirect.gather [hbm4b:s3+s16], $0x80, s17, s16, $0xb8;
	[tilespmem:$0x10200] =	vst v63  }
0x84: {  	_ = 	snop  }
0x85: {  	[tilespmem:s11], [sflag:$0x1] =	stream.indirect.gather [hbm4b:s3+s16], $0x80, s18, s16, $0xb8;
	[tilespmem:$0x10200] =	vst v63  }
0x86: {  	_ =	swait.ge [sflag:s14], $0x4000  }
0x87: {  	[sflag:s14] =	ssyncset.done $0x0  }
0x88: {  	[sflag:s14] =	ssyncadd.s32 $0xFFFFC000  }
0x89: {  	[hbm4b:s10+s2] =	stream.linear.scatter [tilespmem:s15], [sflag:$0x2], $0x4000, $0x38;
	[tilespmem:$0x10200] =	vst v63  }
0x8a: {  	_ =	swait.ge [sflag:s14], $0x4000  }
0x8b: {  	[sflag:s14] =	ssyncset.done $0x0  }
0x8c: {  	[sflag:s14] =	ssyncadd.s32 $0xFFFFC000  }
0x8d: {  	[hbm4b:s9+s2] =	stream.linear.scatter [tilespmem:s13], [sflag:$0x2], $0x4000, $0x38;
	[tilespmem:$0x10200] =	vst v63  }
0x8e: {  	_ =	swait.ge [sflag:s14], $0x4000  }
0x8f: {  	[sflag:s14] =	ssyncset.done $0x0  }
0x90: {  	[sflag:s14] =	ssyncadd.s32 $0xFFFFC000  }
0x91: {  	[hbm4b:s7+s2] =	stream.linear.scatter [tilespmem:s12], [sflag:$0x2], $0x4000, $0x38;
	[tilespmem:$0x10200] =	vst v63  }
0x92: {  	_ =	swait.ge [sflag:s14], $0x4000  }
0x93: {  	[sflag:s14] =	ssyncset.done $0x0  }
0x94: {  	[sflag:s14] =	ssyncadd.s32 $0xFFFFC000  }
0x95: {  	[hbm4b:s6+s2] =	stream.linear.scatter [tilespmem:s11], [sflag:$0x2], $0x4000, $0x38;
	[tilespmem:$0x10200] =	vst v63  }
0x96: {  	_ =	swait.ge [sflag:s8], $0x4000  }
0x97: {  	[sflag:s8] =	ssyncset.done $0x0  }
0x98: {  	[sflag:s8] =	ssyncadd.s32 $0xFFFFC000  }
0x99: {  	_ =	swait.ge [sflag:s8], $0x4000  }
0x9a: {  	[sflag:s8] =	ssyncset.done $0x0  }
0x9b: {  	[sflag:s8] =	ssyncadd.s32 $0xFFFFC000  }
0x9c: {  	_ =	swait.ge [sflag:s8], $0x4000  }
0x9d: {  	[sflag:s8] =	ssyncset.done $0x0  }
0x9e: {  	[sflag:s8] =	ssyncadd.s32 $0xFFFFC000  }
0x9f: {  	_ =	swait.ge [sflag:s8], $0x4000  }
0xa0: {  	[sflag:s8] =	ssyncset.done $0x0  }
0xa1: {  	[sflag:s8] =	ssyncadd.s32 $0xFFFFC000  }
0xa2: {  	_ =	sfence.sel $0x180000  }
0xa3: {  	[bflag:$0x0] =	sbarrier.arrive $0xFFFF  }
0xa4: {  	p0 =	sne.s32 s1, $0x0;
	_ =	strace $0x90000047  }
0xa5: {  	s0 =	sadd.s32 @!p0 $0x100000, s0;
	[bflag:$0x2] =	sbarrier.arrive $0xFFFF  }
0xa6: {  	[sflag:s0] =	ssyncadd.tile.s32 @!p0 $0x1;
	_ =	shalt  }
.Lfunc_end2:
_tile_overlayer_lowered:
.L_overlay_start_2:
0xa7: {  	(tag) =	ssettag $0x2  }
0xa8: {  	s0 =	rddreg [dreg:$0x0];
	s2 =	stileid.u32  }
0xa9: {  	s1 =	rddreg [dreg:$0x1];
	p0 =	sne.s32 s2, $0x0  }
0xaa: {  	s3 =	rddreg [dreg:$0x2];
	[bflag:$0x3] =	sbarrier.arrive $0xFFFF;
	s2 =	simm.s32 @!p0 $0x1C03  }
0xab: {  	[timem:s3], [sflag:s2] =	dma.local @!p0 [hbm:s0], s1  }
0xac: {  	s0 =	simm.s32 @!p0 $0x3  }
0xad: {  	_ =	swait.ge @!p0 [sflag:s0], s1  }
0xae: {  	s1 =	ssub.s32 @!p0 $0x0, s1;
	[sflag:s0] =	ssyncset.done @!p0 $0x0  }
0xaf: {  	[sflag:s0] =	ssyncadd.s32 @!p0 s1  }
0xb0: {  	[bflag:$0x3] =	sbarrier.arrive $0xFFFF  }
0xb1: {  	_ =	shalt  }

</sc_bundles>
